<compile_context>
chip_gen: v7x
topology: tpu7x:2x2x1
jax: 0.10.2.dev20260603
libtpu: 0.0.44.dev20260713+nightly
codegen_flags: <defaults>
</compile_context>

<pallas_src>
import jax
import jax.numpy as jnp
from jax import lax
from jax.experimental import pallas as pl
from jax.experimental.pallas import tpu as pltpu
from jax.experimental.pallas import tpu_sc as plsc

N_ATOMS = 16384
N_GRAPHS = 16
TOP_B = 5
NS = 16
CHUNK = N_ATOMS // NS
LANES = 16


def _sc_body(batch_hbm, aw_hbm, si_hbm, sw_hbm,
             batch_v, hist_v, allhist_v, inv_v, out_v, sel_i_v, sel_w_v,
             shared_hist):
    s = lax.axis_index("s")
    base = s * CHUNK

    pltpu.sync_copy(batch_hbm.at[pl.ds(base, CHUNK)], batch_v)

    lane16 = lax.iota(jnp.int32, LANES) * LANES
    zeros = jnp.zeros((LANES,), jnp.int32)
    ones = jnp.ones((LANES,), jnp.int32)

    for l in range(LANES):
        hist_v[pl.ds(l * LANES, LANES)] = zeros
    for i in range(CHUNK // LANES):
        idx = batch_v[pl.ds(i * LANES, LANES)]
        plsc.addupdate_scatter(hist_v, [lane16 + idx], ones)
    counts_l = hist_v[pl.ds(0, LANES)]
    for l in range(1, LANES):
        counts_l = counts_l + hist_v[pl.ds(l * LANES, LANES)]

    hist_v[pl.ds(0, LANES)] = counts_l
    pltpu.sync_copy(hist_v.at[pl.ds(0, LANES)],
                    shared_hist.at[pl.ds(s * LANES, LANES)])
    plsc.subcore_barrier()
    pltpu.sync_copy(shared_hist, allhist_v)

    counts = allhist_v[pl.ds(0, LANES)]
    for i in range(1, NS):
        counts = counts + allhist_v[pl.ds(i * LANES, LANES)]
    inv = 1.0 / counts.astype(jnp.float32)
    for l in range(LANES):
        inv_v[pl.ds(l * LANES, LANES)] = inv

    for i in range(CHUNK // LANES):
        idx = batch_v[pl.ds(i * LANES, LANES)]
        out_v[pl.ds(i * LANES, LANES)] = plsc.load_gather(
            inv_v, [lane16 + idx])
    pltpu.sync_copy(out_v, aw_hbm.at[pl.ds(base, CHUNK)])

    @pl.when(s == 0)
    def _():
        starts = plsc.cumsum(counts) - counts
        gid = lax.iota(jnp.int32, LANES)
        for j in range(TOP_B):
            pos = gid * TOP_B + j
            plsc.store_scatter(sel_i_v, [pos], starts + j)
            plsc.store_scatter(sel_w_v, [pos], inv)
        pltpu.sync_copy(sel_i_v, si_hbm)
        pltpu.sync_copy(sel_w_v, sw_hbm)


_sc_call = pl.kernel(
    _sc_body,
    out_type=(
        jax.ShapeDtypeStruct((N_ATOMS,), jnp.float32),
        jax.ShapeDtypeStruct((N_GRAPHS * TOP_B,), jnp.int32),
        jax.ShapeDtypeStruct((N_GRAPHS * TOP_B,), jnp.float32),
    ),
    mesh=plsc.VectorSubcoreMesh(
        core_axis_name="c", subcore_axis_name="s", num_cores=1,
        num_subcores=NS),
    compiler_params=pltpu.CompilerParams(needs_layout_passes=False),
    scratch_types=(
        pltpu.VMEM((CHUNK,), jnp.int32),
        pltpu.VMEM((LANES * LANES,), jnp.int32),
        pltpu.VMEM((NS * LANES,), jnp.int32),
        pltpu.VMEM((LANES * LANES,), jnp.float32),
        pltpu.VMEM((CHUNK,), jnp.float32),
        pltpu.VMEM((N_GRAPHS * TOP_B,), jnp.int32),
        pltpu.VMEM((N_GRAPHS * TOP_B,), jnp.float32),
        pltpu.VMEM_SHARED((NS * LANES,), jnp.int32),
    ),
)


@jax.jit
def kernel(node_repr, graph_repr, prototypes, batch):
    atom_weights, selected_indices, selected_weights = _sc_call(
        batch.astype(jnp.int32))
    return (
        graph_repr,
        atom_weights,
        selected_indices.astype(batch.dtype),
        selected_weights,
    )

# --- scband reference (transcript-rebuilt; emitter-appended) ---
"""Pipeline reference for scband-uniform-atom-level-attention-19207093748175 (READ-ONLY COPY).

The authoritative reference and input builder live on the scoring server;
editing this copy changes nothing except your own understanding.
"""

import jax, jax.numpy as jnp
import numpy as np

TOP_B = 5
N_ATOMS = 16384
N_GRAPHS = 16
D = 512


def setup_inputs(seed: int = 0) -> dict:
    key = jax.random.key(seed)
    k1, k2, k3, k4 = jax.random.split(key, 4)
    node_repr = jax.random.normal(k1, (N_ATOMS, D), dtype=jnp.float32)
    graph_repr = jax.random.normal(k2, (N_GRAPHS, D), dtype=jnp.float32)
    prototypes = jax.random.normal(k3, (10, D), dtype=jnp.float32)
    batch = jnp.sort(jax.random.randint(k4, (N_ATOMS,), 0, N_GRAPHS).astype(jnp.int64))
    return {"node_repr": node_repr, "graph_repr": graph_repr, "prototypes": prototypes, "batch": batch}


def reference(node_repr, graph_repr, prototypes, batch):
    # substructure_repr := graph_repr (atom-level attention disabled)
    substructure_repr = graph_repr
    num_graphs = graph_repr.shape[0]
    graph_ids = jnp.arange(num_graphs, dtype=batch.dtype)
    counts = jnp.sum(batch[None, :] == graph_ids[:, None], axis=1)
    # batch is sorted, so atoms of each graph occupy a contiguous index range;
    # the concatenation over graphs in order equals the per-atom gather below.
    atom_weights = (1.0 / counts[batch]).astype(jnp.float32)
    starts = jnp.searchsorted(batch, graph_ids)
    selected_indices = (
        starts[:, None] + jnp.arange(TOP_B, dtype=starts.dtype)[None, :]
    ).reshape(-1).astype(jnp.int64)
    selected_weights = jnp.repeat(
        (1.0 / counts).astype(jnp.float32), TOP_B
    )
    return (
        substructure_repr,
        atom_weights,
        selected_indices,
        selected_weights,
    )

if __name__ == "__main__":
    import jax
    _d = setup_inputs()
    print(jax.jit(kernel)(*tuple(_d.values())))

</pallas_src>

<mosaic_0001>
#map = affine_map<(d0, d1) -> (0)>
module attributes {stable_mosaic.version = 14 : i64} {
  func.func @_sc_body(%arg0: i32, %arg1: i32, %arg2: memref<16384xi32, #tpu.memory_space<hbm>>, %arg3: memref<16384xf32, #tpu.memory_space<hbm>>, %arg4: memref<80xi32, #tpu.memory_space<hbm>>, %arg5: memref<80xf32, #tpu.memory_space<hbm>>, %arg6: memref<1024xi32, #tpu.memory_space<vmem>>, %arg7: memref<256xi32, #tpu.memory_space<vmem>>, %arg8: memref<256xi32, #tpu.memory_space<vmem>>, %arg9: memref<256xf32, #tpu.memory_space<vmem>>, %arg10: memref<1024xf32, #tpu.memory_space<vmem>>, %arg11: memref<80xi32, #tpu.memory_space<vmem>>, %arg12: memref<80xf32, #tpu.memory_space<vmem>>, %arg13: memref<256xi32, #tpu.memory_space<vmem_shared>>) attributes {dimension_semantics = [#tpu.dimension_semantics<core_parallel>, #tpu.dimension_semantics<subcore_parallel>], iteration_bounds = array<i64: 1, 16>, scalar_prefetch = 0 : i64, scratch_operands = 8 : i64, tpu.core_type = #tpu.core_type<sc_vector_subcore>, window_params = [{transform_indices = #map}, {transform_indices = #map}, {transform_indices = #map}, {transform_indices = #map}]} {
    %mul3A = arith.constant 1024 : i32
    %mul3A_0 = arith.muli %arg1, %mul3A : i32
    "tpu.region"() ({
      %run_scoped3A = tpu.sem_alloc : memref<!tpu.dma_semaphore, #tpu.memory_space<semaphore_mem>>
      %dma_start3A = tpu.memref_slice %arg2[%mul3A_0] : memref<16384xi32, #tpu.memory_space<hbm>> -> memref<1024xi32, #tpu.memory_space<hbm>>
      %dma_start3A_746 = tpu.memref_slice %arg2[%mul3A_0] : memref<16384xi32, #tpu.memory_space<hbm>> -> memref<1024xi32, #tpu.memory_space<hbm>>
      tpu.enqueue_dma source(%dma_start3A_746 : memref<1024xi32, #tpu.memory_space<hbm>>) target(%arg6 : memref<1024xi32, #tpu.memory_space<vmem>>) target_semaphore(%run_scoped3A : memref<!tpu.dma_semaphore, #tpu.memory_space<semaphore_mem>>)
      %dma_wait3A = tpu.memref_slice %arg2[%mul3A_0] : memref<16384xi32, #tpu.memory_space<hbm>> -> memref<1024xi32, #tpu.memory_space<hbm>>
      %dma_wait3A_747 = tpu.memref_slice %arg2[%mul3A_0] : memref<16384xi32, #tpu.memory_space<hbm>> -> memref<1024xi32, #tpu.memory_space<hbm>>
      tpu.wait_dma2 semaphore(%run_scoped3A : memref<!tpu.dma_semaphore, #tpu.memory_space<semaphore_mem>>) src(%dma_wait3A_747 : memref<1024xi32, #tpu.memory_space<hbm>>) dst(%arg6 : memref<1024xi32, #tpu.memory_space<vmem>>)
      tpu.yield
    }) : () -> ()
    %iota3A = tpu.iota {dimensions = array<i32: 0>} : vector<16xi32>
    %mul3A_1 = arith.constant 16 : i32
    %mul3A_2 = vector.broadcast %mul3A_1 : i32 to vector<16xi32>
    %mul3A_3 = arith.muli %iota3A, %mul3A_2 : vector<16xi32>
    %broadcast_in_dim3A = arith.constant 0 : i32
    %broadcast_in_dim3A_4 = vector.broadcast %broadcast_in_dim3A : i32 to vector<16xi32>
    %broadcast_in_dim3A_5 = arith.constant 1 : i32
    %broadcast_in_dim3A_6 = vector.broadcast %broadcast_in_dim3A_5 : i32 to vector<16xi32>
    %swap3A = arith.constant 0 : index
    %swap3A_7 = tpu.vector_load %arg7[%swap3A] {strides = array<i32>} : memref<256xi32, #tpu.memory_space<vmem>>, vector<16xi32>,
    tpu.vector_store %arg7[%swap3A], %broadcast_in_dim3A_4 {strides = array<i32>} : memref<256xi32, #tpu.memory_space<vmem>>, vector<16xi32>,
    %swap3A_8 = arith.constant 16 : index
    %swap3A_9 = tpu.vector_load %arg7[%swap3A_8] {strides = array<i32>} : memref<256xi32, #tpu.memory_space<vmem>>, vector<16xi32>,
    tpu.vector_store %arg7[%swap3A_8], %broadcast_in_dim3A_4 {strides = array<i32>} : memref<256xi32, #tpu.memory_space<vmem>>, vector<16xi32>,
    %swap3A_10 = arith.constant 32 : index
    %swap3A_11 = tpu.vector_load %arg7[%swap3A_10] {strides = array<i32>} : memref<256xi32, #tpu.memory_space<vmem>>, vector<16xi32>,
    tpu.vector_store %arg7[%swap3A_10], %broadcast_in_dim3A_4 {strides = array<i32>} : memref<256xi32, #tpu.memory_space<vmem>>, vector<16xi32>,
    %swap3A_12 = arith.constant 48 : index
    %swap3A_13 = tpu.vector_load %arg7[%swap3A_12] {strides = array<i32>} : memref<256xi32, #tpu.memory_space<vmem>>, vector<16xi32>,
    tpu.vector_store %arg7[%swap3A_12], %broadcast_in_dim3A_4 {strides = array<i32>} : memref<256xi32, #tpu.memory_space<vmem>>, vector<16xi32>,
    %swap3A_14 = arith.constant 64 : index
    %swap3A_15 = tpu.vector_load %arg7[%swap3A_14] {strides = array<i32>} : memref<256xi32, #tpu.memory_space<vmem>>, vector<16xi32>,
    tpu.vector_store %arg7[%swap3A_14], %broadcast_in_dim3A_4 {strides = array<i32>} : memref<256xi32, #tpu.memory_space<vmem>>, vector<16xi32>,
    %swap3A_16 = arith.constant 80 : index
    %swap3A_17 = tpu.vector_load %arg7[%swap3A_16] {strides = array<i32>} : memref<256xi32, #tpu.memory_space<vmem>>, vector<16xi32>,
    tpu.vector_store %arg7[%swap3A_16], %broadcast_in_dim3A_4 {strides = array<i32>} : memref<256xi32, #tpu.memory_space<vmem>>, vector<16xi32>,
    %swap3A_18 = arith.constant 96 : index
    %swap3A_19 = tpu.vector_load %arg7[%swap3A_18] {strides = array<i32>} : memref<256xi32, #tpu.memory_space<vmem>>, vector<16xi32>,
    tpu.vector_store %arg7[%swap3A_18], %broadcast_in_dim3A_4 {strides = array<i32>} : memref<256xi32, #tpu.memory_space<vmem>>, vector<16xi32>,
    %swap3A_20 = arith.constant 112 : index
    %swap3A_21 = tpu.vector_load %arg7[%swap3A_20] {strides = array<i32>} : memref<256xi32, #tpu.memory_space<vmem>>, vector<16xi32>,
    tpu.vector_store %arg7[%swap3A_20], %broadcast_in_dim3A_4 {strides = array<i32>} : memref<256xi32, #tpu.memory_space<vmem>>, vector<16xi32>,
    %swap3A_22 = arith.constant 128 : index
    %swap3A_23 = tpu.vector_load %arg7[%swap3A_22] {strides = array<i32>} : memref<256xi32, #tpu.memory_space<vmem>>, vector<16xi32>,
    tpu.vector_store %arg7[%swap3A_22], %broadcast_in_dim3A_4 {strides = array<i32>} : memref<256xi32, #tpu.memory_space<vmem>>, vector<16xi32>,
    %swap3A_24 = arith.constant 144 : index
    %swap3A_25 = tpu.vector_load %arg7[%swap3A_24] {strides = array<i32>} : memref<256xi32, #tpu.memory_space<vmem>>, vector<16xi32>,
    tpu.vector_store %arg7[%swap3A_24], %broadcast_in_dim3A_4 {strides = array<i32>} : memref<256xi32, #tpu.memory_space<vmem>>, vector<16xi32>,
    %swap3A_26 = arith.constant 160 : index
    %swap3A_27 = tpu.vector_load %arg7[%swap3A_26] {strides = array<i32>} : memref<256xi32, #tpu.memory_space<vmem>>, vector<16xi32>,
    tpu.vector_store %arg7[%swap3A_26], %broadcast_in_dim3A_4 {strides = array<i32>} : memref<256xi32, #tpu.memory_space<vmem>>, vector<16xi32>,
    %swap3A_28 = arith.constant 176 : index
    %swap3A_29 = tpu.vector_load %arg7[%swap3A_28] {strides = array<i32>} : memref<256xi32, #tpu.memory_space<vmem>>, vector<16xi32>,
    tpu.vector_store %arg7[%swap3A_28], %broadcast_in_dim3A_4 {strides = array<i32>} : memref<256xi32, #tpu.memory_space<vmem>>, vector<16xi32>,
    %swap3A_30 = arith.constant 192 : index
    %swap3A_31 = tpu.vector_load %arg7[%swap3A_30] {strides = array<i32>} : memref<256xi32, #tpu.memory_space<vmem>>, vector<16xi32>,
    tpu.vector_store %arg7[%swap3A_30], %broadcast_in_dim3A_4 {strides = array<i32>} : memref<256xi32, #tpu.memory_space<vmem>>, vector<16xi32>,
    %swap3A_32 = arith.constant 208 : index
    %swap3A_33 = tpu.vector_load %arg7[%swap3A_32] {strides = array<i32>} : memref<256xi32, #tpu.memory_space<vmem>>, vector<16xi32>,
    tpu.vector_store %arg7[%swap3A_32], %broadcast_in_dim3A_4 {strides = array<i32>} : memref<256xi32, #tpu.memory_space<vmem>>, vector<16xi32>,
    %swap3A_34 = arith.constant 224 : index
    %swap3A_35 = tpu.vector_load %arg7[%swap3A_34] {strides = array<i32>} : memref<256xi32, #tpu.memory_space<vmem>>, vector<16xi32>,
    tpu.vector_store %arg7[%swap3A_34], %broadcast_in_dim3A_4 {strides = array<i32>} : memref<256xi32, #tpu.memory_space<vmem>>, vector<16xi32>,
    %swap3A_36 = arith.constant 240 : index
    %swap3A_37 = tpu.vector_load %arg7[%swap3A_36] {strides = array<i32>} : memref<256xi32, #tpu.memory_space<vmem>>, vector<16xi32>,
    tpu.vector_store %arg7[%swap3A_36], %broadcast_in_dim3A_4 {strides = array<i32>} : memref<256xi32, #tpu.memory_space<vmem>>, vector<16xi32>,
    %get3A = arith.constant 0 : index
    %get3A_38 = tpu.vector_load %arg6[%get3A] {strides = array<i32>} : memref<1024xi32, #tpu.memory_space<vmem>>, vector<16xi32>,
    %add3A = arith.addi %mul3A_3, %get3A_38 : vector<16xi32>
    tpu.vector_store_idx %arg7[%add3A], %broadcast_in_dim3A_6 {add = true} : memref<256xi32, #tpu.memory_space<vmem>>[vector<16xi32>], vector<16xi32>,
    %get3A_39 = arith.constant 16 : index
    %get3A_40 = tpu.vector_load %arg6[%get3A_39] {strides = array<i32>} : memref<1024xi32, #tpu.memory_space<vmem>>, vector<16xi32>,
    %add3A_41 = arith.addi %mul3A_3, %get3A_40 : vector<16xi32>
    tpu.vector_store_idx %arg7[%add3A_41], %broadcast_in_dim3A_6 {add = true} : memref<256xi32, #tpu.memory_space<vmem>>[vector<16xi32>], vector<16xi32>,
    %get3A_42 = arith.constant 32 : index
    %get3A_43 = tpu.vector_load %arg6[%get3A_42] {strides = array<i32>} : memref<1024xi32, #tpu.memory_space<vmem>>, vector<16xi32>,
    %add3A_44 = arith.addi %mul3A_3, %get3A_43 : vector<16xi32>
    tpu.vector_store_idx %arg7[%add3A_44], %broadcast_in_dim3A_6 {add = true} : memref<256xi32, #tpu.memory_space<vmem>>[vector<16xi32>], vector<16xi32>,
    %get3A_45 = arith.constant 48 : index
    %get3A_46 = tpu.vector_load %arg6[%get3A_45] {strides = array<i32>} : memref<1024xi32, #tpu.memory_space<vmem>>, vector<16xi32>,
    %add3A_47 = arith.addi %mul3A_3, %get3A_46 : vector<16xi32>
    tpu.vector_store_idx %arg7[%add3A_47], %broadcast_in_dim3A_6 {add = true} : memref<256xi32, #tpu.memory_space<vmem>>[vector<16xi32>], vector<16xi32>,
    %get3A_48 = arith.constant 64 : index
    %get3A_49 = tpu.vector_load %arg6[%get3A_48] {strides = array<i32>} : memref<1024xi32, #tpu.memory_space<vmem>>, vector<16xi32>,
    %add3A_50 = arith.addi %mul3A_3, %get3A_49 : vector<16xi32>
    tpu.vector_store_idx %arg7[%add3A_50], %broadcast_in_dim3A_6 {add = true} : memref<256xi32, #tpu.memory_space<vmem>>[vector<16xi32>], vector<16xi32>,
    %get3A_51 = arith.constant 80 : index
    %get3A_52 = tpu.vector_load %arg6[%get3A_51] {strides = array<i32>} : memref<1024xi32, #tpu.memory_space<vmem>>, vector<16xi32>,
    %add3A_53 = arith.addi %mul3A_3, %get3A_52 : vector<16xi32>
    tpu.vector_store_idx %arg7[%add3A_53], %broadcast_in_dim3A_6 {add = true} : memref<256xi32, #tpu.memory_space<vmem>>[vector<16xi32>], vector<16xi32>,
    %get3A_54 = arith.constant 96 : index
    %get3A_55 = tpu.vector_load %arg6[%get3A_54] {strides = array<i32>} : memref<1024xi32, #tpu.memory_space<vmem>>, vector<16xi32>,
    %add3A_56 = arith.addi %mul3A_3, %get3A_55 : vector<16xi32>
    tpu.vector_store_idx %arg7[%add3A_56], %broadcast_in_dim3A_6 {add = true} : memref<256xi32, #tpu.memory_space<vmem>>[vector<16xi32>], vector<16xi32>,
    %get3A_57 = arith.constant 112 : index
    %get3A_58 = tpu.vector_load %arg6[%get3A_57] {strides = array<i32>} : memref<1024xi32, #tpu.memory_space<vmem>>, vector<16xi32>,
    %add3A_59 = arith.addi %mul3A_3, %get3A_58 : vector<16xi32>
    tpu.vector_store_idx %arg7[%add3A_59], %broadcast_in_dim3A_6 {add = true} : memref<256xi32, #tpu.memory_space<vmem>>[vector<16xi32>], vector<16xi32>,
    %get3A_60 = arith.constant 128 : index
    %get3A_61 = tpu.vector_load %arg6[%get3A_60] {strides = array<i32>} : memref<1024xi32, #tpu.memory_space<vmem>>, vector<16xi32>,
    %add3A_62 = arith.addi %mul3A_3, %get3A_61 : vector<16xi32>
    tpu.vector_store_idx %arg7[%add3A_62], %broadcast_in_dim3A_6 {add = true} : memref<256xi32, #tpu.memory_space<vmem>>[vector<16xi32>], vector<16xi32>,
    %get3A_63 = arith.constant 144 : index
    %get3A_64 = tpu.vector_load %arg6[%get3A_63] {strides = array<i32>} : memref<1024xi32, #tpu.memory_space<vmem>>, vector<16xi32>,
    %add3A_65 = arith.addi %mul3A_3, %get3A_64 : vector<16xi32>
    tpu.vector_store_idx %arg7[%add3A_65], %broadcast_in_dim3A_6 {add = true} : memref<256xi32, #tpu.memory_space<vmem>>[vector<16xi32>], vector<16xi32>,
    %get3A_66 = arith.constant 160 : index
    %get3A_67 = tpu.vector_load %arg6[%get3A_66] {strides = array<i32>} : memref<1024xi32, #tpu.memory_space<vmem>>, vector<16xi32>,
    %add3A_68 = arith.addi %mul3A_3, %get3A_67 : vector<16xi32>
    tpu.vector_store_idx %arg7[%add3A_68], %broadcast_in_dim3A_6 {add = true} : memref<256xi32, #tpu.memory_space<vmem>>[vector<16xi32>], vector<16xi32>,
    %get3A_69 = arith.constant 176 : index
    %get3A_70 = tpu.vector_load %arg6[%get3A_69] {strides = array<i32>} : memref<1024xi32, #tpu.memory_space<vmem>>, vector<16xi32>,
    %add3A_71 = arith.addi %mul3A_3, %get3A_70 : vector<16xi32>
    tpu.vector_store_idx %arg7[%add3A_71], %broadcast_in_dim3A_6 {add = true} : memref<256xi32, #tpu.memory_space<vmem>>[vector<16xi32>], vector<16xi32>,
    %get3A_72 = arith.constant 192 : index
    %get3A_73 = tpu.vector_load %arg6[%get3A_72] {strides = array<i32>} : memref<1024xi32, #tpu.memory_space<vmem>>, vector<16xi32>,
    %add3A_74 = arith.addi %mul3A_3, %get3A_73 : vector<16xi32>
    tpu.vector_store_idx %arg7[%add3A_74], %broadcast_in_dim3A_6 {add = true} : memref<256xi32, #tpu.memory_space<vmem>>[vector<16xi32>], vector<16xi32>,
    %get3A_75 = arith.constant 208 : index
    %get3A_76 = tpu.vector_load %arg6[%get3A_75] {strides = array<i32>} : memref<1024xi32, #tpu.memory_space<vmem>>, vector<16xi32>,
    %add3A_77 = arith.addi %mul3A_3, %get3A_76 : vector<16xi32>
    tpu.vector_store_idx %arg7[%add3A_77], %broadcast_in_dim3A_6 {add = true} : memref<256xi32, #tpu.memory_space<vmem>>[vector<16xi32>], vector<16xi32>,
    %get3A_78 = arith.constant 224 : index
    %get3A_79 = tpu.vector_load %arg6[%get3A_78] {strides = array<i32>} : memref<1024xi32, #tpu.memory_space<vmem>>, vector<16xi32>,
    %add3A_80 = arith.addi %mul3A_3, %get3A_79 : vector<16xi32>
    tpu.vector_store_idx %arg7[%add3A_80], %broadcast_in_dim3A_6 {add = true} : memref<256xi32, #tpu.memory_space<vmem>>[vector<16xi32>], vector<16xi32>,
    %get3A_81 = arith.constant 240 : index
    %get3A_82 = tpu.vector_load %arg6[%get3A_81] {strides = array<i32>} : memref<1024xi32, #tpu.memory_space<vmem>>, vector<16xi32>,
    %add3A_83 = arith.addi %mul3A_3, %get3A_82 : vector<16xi32>
    tpu.vector_store_idx %arg7[%add3A_83], %broadcast_in_dim3A_6 {add = true} : memref<256xi32, #tpu.memory_space<vmem>>[vector<16xi32>], vector<16xi32>,
    %get3A_84 = arith.constant 256 : index
    %get3A_85 = tpu.vector_load %arg6[%get3A_84] {strides = array<i32>} : memref<1024xi32, #tpu.memory_space<vmem>>, vector<16xi32>,
    %add3A_86 = arith.addi %mul3A_3, %get3A_85 : vector<16xi32>
    tpu.vector_store_idx %arg7[%add3A_86], %broadcast_in_dim3A_6 {add = true} : memref<256xi32, #tpu.memory_space<vmem>>[vector<16xi32>], vector<16xi32>,
    %get3A_87 = arith.constant 272 : index
    %get3A_88 = tpu.vector_load %arg6[%get3A_87] {strides = array<i32>} : memref<1024xi32, #tpu.memory_space<vmem>>, vector<16xi32>,
    %add3A_89 = arith.addi %mul3A_3, %get3A_88 : vector<16xi32>
    tpu.vector_store_idx %arg7[%add3A_89], %broadcast_in_dim3A_6 {add = true} : memref<256xi32, #tpu.memory_space<vmem>>[vector<16xi32>], vector<16xi32>,
    %get3A_90 = arith.constant 288 : index
    %get3A_91 = tpu.vector_load %arg6[%get3A_90] {strides = array<i32>} : memref<1024xi32, #tpu.memory_space<vmem>>, vector<16xi32>,
    %add3A_92 = arith.addi %mul3A_3, %get3A_91 : vector<16xi32>
    tpu.vector_store_idx %arg7[%add3A_92], %broadcast_in_dim3A_6 {add = true} : memref<256xi32, #tpu.memory_space<vmem>>[vector<16xi32>], vector<16xi32>,
    %get3A_93 = arith.constant 304 : index
    %get3A_94 = tpu.vector_load %arg6[%get3A_93] {strides = array<i32>} : memref<1024xi32, #tpu.memory_space<vmem>>, vector<16xi32>,
    %add3A_95 = arith.addi %mul3A_3, %get3A_94 : vector<16xi32>
    tpu.vector_store_idx %arg7[%add3A_95], %broadcast_in_dim3A_6 {add = true} : memref<256xi32, #tpu.memory_space<vmem>>[vector<16xi32>], vector<16xi32>,
    %get3A_96 = arith.constant 320 : index
    %get3A_97 = tpu.vector_load %arg6[%get3A_96] {strides = array<i32>} : memref<1024xi32, #tpu.memory_space<vmem>>, vector<16xi32>,
    %add3A_98 = arith.addi %mul3A_3, %get3A_97 : vector<16xi32>
    tpu.vector_store_idx %arg7[%add3A_98], %broadcast_in_dim3A_6 {add = true} : memref<256xi32, #tpu.memory_space<vmem>>[vector<16xi32>], vector<16xi32>,
    %get3A_99 = arith.constant 336 : index
    %get3A_100 = tpu.vector_load %arg6[%get3A_99] {strides = array<i32>} : memref<1024xi32, #tpu.memory_space<vmem>>, vector<16xi32>,
    %add3A_101 = arith.addi %mul3A_3, %get3A_100 : vector<16xi32>
    tpu.vector_store_idx %arg7[%add3A_101], %broadcast_in_dim3A_6 {add = true} : memref<256xi32, #tpu.memory_space<vmem>>[vector<16xi32>], vector<16xi32>,
    %get3A_102 = arith.constant 352 : index
    %get3A_103 = tpu.vector_load %arg6[%get3A_102] {strides = array<i32>} : memref<1024xi32, #tpu.memory_space<vmem>>, vector<16xi32>,
    %add3A_104 = arith.addi %mul3A_3, %get3A_103 : vector<16xi32>
    tpu.vector_store_idx %arg7[%add3A_104], %broadcast_in_dim3A_6 {add = true} : memref<256xi32, #tpu.memory_space<vmem>>[vector<16xi32>], vector<16xi32>,
    %get3A_105 = arith.constant 368 : index
    %get3A_106 = tpu.vector_load %arg6[%get3A_105] {strides = array<i32>} : memref<1024xi32, #tpu.memory_space<vmem>>, vector<16xi32>,
    %add3A_107 = arith.addi %mul3A_3, %get3A_106 : vector<16xi32>
    tpu.vector_store_idx %arg7[%add3A_107], %broadcast_in_dim3A_6 {add = true} : memref<256xi32, #tpu.memory_space<vmem>>[vector<16xi32>], vector<16xi32>,
    %get3A_108 = arith.constant 384 : index
    %get3A_109 = tpu.vector_load %arg6[%get3A_108] {strides = array<i32>} : memref<1024xi32, #tpu.memory_space<vmem>>, vector<16xi32>,
    %add3A_110 = arith.addi %mul3A_3, %get3A_109 : vector<16xi32>
    tpu.vector_store_idx %arg7[%add3A_110], %broadcast_in_dim3A_6 {add = true} : memref<256xi32, #tpu.memory_space<vmem>>[vector<16xi32>], vector<16xi32>,
    %get3A_111 = arith.constant 400 : index
    %get3A_112 = tpu.vector_load %arg6[%get3A_111] {strides = array<i32>} : memref<1024xi32, #tpu.memory_space<vmem>>, vector<16xi32>,
    %add3A_113 = arith.addi %mul3A_3, %get3A_112 : vector<16xi32>
    tpu.vector_store_idx %arg7[%add3A_113], %broadcast_in_dim3A_6 {add = true} : memref<256xi32, #tpu.memory_space<vmem>>[vector<16xi32>], vector<16xi32>,
    %get3A_114 = arith.constant 416 : index
    %get3A_115 = tpu.vector_load %arg6[%get3A_114] {strides = array<i32>} : memref<1024xi32, #tpu.memory_space<vmem>>, vector<16xi32>,
    %add3A_116 = arith.addi %mul3A_3, %get3A_115 : vector<16xi32>
    tpu.vector_store_idx %arg7[%add3A_116], %broadcast_in_dim3A_6 {add = true} : memref<256xi32, #tpu.memory_space<vmem>>[vector<16xi32>], vector<16xi32>,
    %get3A_117 = arith.constant 432 : index
    %get3A_118 = tpu.vector_load %arg6[%get3A_117] {strides = array<i32>} : memref<1024xi32, #tpu.memory_space<vmem>>, vector<16xi32>,
    %add3A_119 = arith.addi %mul3A_3, %get3A_118 : vector<16xi32>
    tpu.vector_store_idx %arg7[%add3A_119], %broadcast_in_dim3A_6 {add = true} : memref<256xi32, #tpu.memory_space<vmem>>[vector<16xi32>], vector<16xi32>,
    %get3A_120 = arith.constant 448 : index
    %get3A_121 = tpu.vector_load %arg6[%get3A_120] {strides = array<i32>} : memref<1024xi32, #tpu.memory_space<vmem>>, vector<16xi32>,
    %add3A_122 = arith.addi %mul3A_3, %get3A_121 : vector<16xi32>
    tpu.vector_store_idx %arg7[%add3A_122], %broadcast_in_dim3A_6 {add = true} : memref<256xi32, #tpu.memory_space<vmem>>[vector<16xi32>], vector<16xi32>,
    %get3A_123 = arith.constant 464 : index
    %get3A_124 = tpu.vector_load %arg6[%get3A_123] {strides = array<i32>} : memref<1024xi32, #tpu.memory_space<vmem>>, vector<16xi32>,
    %add3A_125 = arith.addi %mul3A_3, %get3A_124 : vector<16xi32>
    tpu.vector_store_idx %arg7[%add3A_125], %broadcast_in_dim3A_6 {add = true} : memref<256xi32, #tpu.memory_space<vmem>>[vector<16xi32>], vector<16xi32>,
    %get3A_126 = arith.constant 480 : index
    %get3A_127 = tpu.vector_load %arg6[%get3A_126] {strides = array<i32>} : memref<1024xi32, #tpu.memory_space<vmem>>, vector<16xi32>,
    %add3A_128 = arith.addi %mul3A_3, %get3A_127 : vector<16xi32>
    tpu.vector_store_idx %arg7[%add3A_128], %broadcast_in_dim3A_6 {add = true} : memref<256xi32, #tpu.memory_space<vmem>>[vector<16xi32>], vector<16xi32>,
    %get3A_129 = arith.constant 496 : index
    %get3A_130 = tpu.vector_load %arg6[%get3A_129] {strides = array<i32>} : memref<1024xi32, #tpu.memory_space<vmem>>, vector<16xi32>,
    %add3A_131 = arith.addi %mul3A_3, %get3A_130 : vector<16xi32>
    tpu.vector_store_idx %arg7[%add3A_131], %broadcast_in_dim3A_6 {add = true} : memref<256xi32, #tpu.memory_space<vmem>>[vector<16xi32>], vector<16xi32>,
    %get3A_132 = arith.constant 512 : index
    %get3A_133 = tpu.vector_load %arg6[%get3A_132] {strides = array<i32>} : memref<1024xi32, #tpu.memory_space<vmem>>, vector<16xi32>,
    %add3A_134 = arith.addi %mul3A_3, %get3A_133 : vector<16xi32>
    tpu.vector_store_idx %arg7[%add3A_134], %broadcast_in_dim3A_6 {add = true} : memref<256xi32, #tpu.memory_space<vmem>>[vector<16xi32>], vector<16xi32>,
    %get3A_135 = arith.constant 528 : index
    %get3A_136 = tpu.vector_load %arg6[%get3A_135] {strides = array<i32>} : memref<1024xi32, #tpu.memory_space<vmem>>, vector<16xi32>,
    %add3A_137 = arith.addi %mul3A_3, %get3A_136 : vector<16xi32>
    tpu.vector_store_idx %arg7[%add3A_137], %broadcast_in_dim3A_6 {add = true} : memref<256xi32, #tpu.memory_space<vmem>>[vector<16xi32>], vector<16xi32>,
    %get3A_138 = arith.constant 544 : index
    %get3A_139 = tpu.vector_load %arg6[%get3A_138] {strides = array<i32>} : memref<1024xi32, #tpu.memory_space<vmem>>, vector<16xi32>,
    %add3A_140 = arith.addi %mul3A_3, %get3A_139 : vector<16xi32>
    tpu.vector_store_idx %arg7[%add3A_140], %broadcast_in_dim3A_6 {add = true} : memref<256xi32, #tpu.memory_space<vmem>>[vector<16xi32>], vector<16xi32>,
    %get3A_141 = arith.constant 560 : index
    %get3A_142 = tpu.vector_load %arg6[%get3A_141] {strides = array<i32>} : memref<1024xi32, #tpu.memory_space<vmem>>, vector<16xi32>,
    %add3A_143 = arith.addi %mul3A_3, %get3A_142 : vector<16xi32>
    tpu.vector_store_idx %arg7[%add3A_143], %broadcast_in_dim3A_6 {add = true} : memref<256xi32, #tpu.memory_space<vmem>>[vector<16xi32>], vector<16xi32>,
    %get3A_144 = arith.constant 576 : index
    %get3A_145 = tpu.vector_load %arg6[%get3A_144] {strides = array<i32>} : memref<1024xi32, #tpu.memory_space<vmem>>, vector<16xi32>,
    %add3A_146 = arith.addi %mul3A_3, %get3A_145 : vector<16xi32>
    tpu.vector_store_idx %arg7[%add3A_146], %broadcast_in_dim3A_6 {add = true} : memref<256xi32, #tpu.memory_space<vmem>>[vector<16xi32>], vector<16xi32>,
    %get3A_147 = arith.constant 592 : index
    %get3A_148 = tpu.vector_load %arg6[%get3A_147] {strides = array<i32>} : memref<1024xi32, #tpu.memory_space<vmem>>, vector<16xi32>,
    %add3A_149 = arith.addi %mul3A_3, %get3A_148 : vector<16xi32>
    tpu.vector_store_idx %arg7[%add3A_149], %broadcast_in_dim3A_6 {add = true} : memref<256xi32, #tpu.memory_space<vmem>>[vector<16xi32>], vector<16xi32>,
    %get3A_150 = arith.constant 608 : index
    %get3A_151 = tpu.vector_load %arg6[%get3A_150] {strides = array<i32>} : memref<1024xi32, #tpu.memory_space<vmem>>, vector<16xi32>,
    %add3A_152 = arith.addi %mul3A_3, %get3A_151 : vector<16xi32>
    tpu.vector_store_idx %arg7[%add3A_152], %broadcast_in_dim3A_6 {add = true} : memref<256xi32, #tpu.memory_space<vmem>>[vector<16xi32>], vector<16xi32>,
    %get3A_153 = arith.constant 624 : index
    %get3A_154 = tpu.vector_load %arg6[%get3A_153] {strides = array<i32>} : memref<1024xi32, #tpu.memory_space<vmem>>, vector<16xi32>,
    %add3A_155 = arith.addi %mul3A_3, %get3A_154 : vector<16xi32>
    tpu.vector_store_idx %arg7[%add3A_155], %broadcast_in_dim3A_6 {add = true} : memref<256xi32, #tpu.memory_space<vmem>>[vector<16xi32>], vector<16xi32>,
    %get3A_156 = arith.constant 640 : index
    %get3A_157 = tpu.vector_load %arg6[%get3A_156] {strides = array<i32>} : memref<1024xi32, #tpu.memory_space<vmem>>, vector<16xi32>,
    %add3A_158 = arith.addi %mul3A_3, %get3A_157 : vector<16xi32>
    tpu.vector_store_idx %arg7[%add3A_158], %broadcast_in_dim3A_6 {add = true} : memref<256xi32, #tpu.memory_space<vmem>>[vector<16xi32>], vector<16xi32>,
    %get3A_159 = arith.constant 656 : index
    %get3A_160 = tpu.vector_load %arg6[%get3A_159] {strides = array<i32>} : memref<1024xi32, #tpu.memory_space<vmem>>, vector<16xi32>,
    %add3A_161 = arith.addi %mul3A_3, %get3A_160 : vector<16xi32>
    tpu.vector_store_idx %arg7[%add3A_161], %broadcast_in_dim3A_6 {add = true} : memref<256xi32, #tpu.memory_space<vmem>>[vector<16xi32>], vector<16xi32>,
    %get3A_162 = arith.constant 672 : index
    %get3A_163 = tpu.vector_load %arg6[%get3A_162] {strides = array<i32>} : memref<1024xi32, #tpu.memory_space<vmem>>, vector<16xi32>,
    %add3A_164 = arith.addi %mul3A_3, %get3A_163 : vector<16xi32>
    tpu.vector_store_idx %arg7[%add3A_164], %broadcast_in_dim3A_6 {add = true} : memref<256xi32, #tpu.memory_space<vmem>>[vector<16xi32>], vector<16xi32>,
    %get3A_165 = arith.constant 688 : index
    %get3A_166 = tpu.vector_load %arg6[%get3A_165] {strides = array<i32>} : memref<1024xi32, #tpu.memory_space<vmem>>, vector<16xi32>,
    %add3A_167 = arith.addi %mul3A_3, %get3A_166 : vector<16xi32>
    tpu.vector_store_idx %arg7[%add3A_167], %broadcast_in_dim3A_6 {add = true} : memref<256xi32, #tpu.memory_space<vmem>>[vector<16xi32>], vector<16xi32>,
    %get3A_168 = arith.constant 704 : index
    %get3A_169 = tpu.vector_load %arg6[%get3A_168] {strides = array<i32>} : memref<1024xi32, #tpu.memory_space<vmem>>, vector<16xi32>,
    %add3A_170 = arith.addi %mul3A_3, %get3A_169 : vector<16xi32>
    tpu.vector_store_idx %arg7[%add3A_170], %broadcast_in_dim3A_6 {add = true} : memref<256xi32, #tpu.memory_space<vmem>>[vector<16xi32>], vector<16xi32>,
    %get3A_171 = arith.constant 720 : index
    %get3A_172 = tpu.vector_load %arg6[%get3A_171] {strides = array<i32>} : memref<1024xi32, #tpu.memory_space<vmem>>, vector<16xi32>,
    %add3A_173 = arith.addi %mul3A_3, %get3A_172 : vector<16xi32>
    tpu.vector_store_idx %arg7[%add3A_173], %broadcast_in_dim3A_6 {add = true} : memref<256xi32, #tpu.memory_space<vmem>>[vector<16xi32>], vector<16xi32>,
    %get3A_174 = arith.constant 736 : index
    %get3A_175 = tpu.vector_load %arg6[%get3A_174] {strides = array<i32>} : memref<1024xi32, #tpu.memory_space<vmem>>, vector<16xi32>,
    %add3A_176 = arith.addi %mul3A_3, %get3A_175 : vector<16xi32>
    tpu.vector_store_idx %arg7[%add3A_176], %broadcast_in_dim3A_6 {add = true} : memref<256xi32, #tpu.memory_space<vmem>>[vector<16xi32>], vector<16xi32>,
    %get3A_177 = arith.constant 752 : index
    %get3A_178 = tpu.vector_load %arg6[%get3A_177] {strides = array<i32>} : memref<1024xi32, #tpu.memory_space<vmem>>, vector<16xi32>,
    %add3A_179 = arith.addi %mul3A_3, %get3A_178 : vector<16xi32>
    tpu.vector_store_idx %arg7[%add3A_179], %broadcast_in_dim3A_6 {add = true} : memref<256xi32, #tpu.memory_space<vmem>>[vector<16xi32>], vector<16xi32>,
    %get3A_180 = arith.constant 768 : index
    %get3A_181 = tpu.vector_load %arg6[%get3A_180] {strides = array<i32>} : memref<1024xi32, #tpu.memory_space<vmem>>, vector<16xi32>,
    %add3A_182 = arith.addi %mul3A_3, %get3A_181 : vector<16xi32>
    tpu.vector_store_idx %arg7[%add3A_182], %broadcast_in_dim3A_6 {add = true} : memref<256xi32, #tpu.memory_space<vmem>>[vector<16xi32>], vector<16xi32>,
    %get3A_183 = arith.constant 784 : index
    %get3A_184 = tpu.vector_load %arg6[%get3A_183] {strides = array<i32>} : memref<1024xi32, #tpu.memory_space<vmem>>, vector<16xi32>,
    %add3A_185 = arith.addi %mul3A_3, %get3A_184 : vector<16xi32>
    tpu.vector_store_idx %arg7[%add3A_185], %broadcast_in_dim3A_6 {add = true} : memref<256xi32, #tpu.memory_space<vmem>>[vector<16xi32>], vector<16xi32>,
    %get3A_186 = arith.constant 800 : index
    %get3A_187 = tpu.vector_load %arg6[%get3A_186] {strides = array<i32>} : memref<1024xi32, #tpu.memory_space<vmem>>, vector<16xi32>,
    %add3A_188 = arith.addi %mul3A_3, %get3A_187 : vector<16xi32>
    tpu.vector_store_idx %arg7[%add3A_188], %broadcast_in_dim3A_6 {add = true} : memref<256xi32, #tpu.memory_space<vmem>>[vector<16xi32>], vector<16xi32>,
    %get3A_189 = arith.constant 816 : index
    %get3A_190 = tpu.vector_load %arg6[%get3A_189] {strides = array<i32>} : memref<1024xi32, #tpu.memory_space<vmem>>, vector<16xi32>,
    %add3A_191 = arith.addi %mul3A_3, %get3A_190 : vector<16xi32>
    tpu.vector_store_idx %arg7[%add3A_191], %broadcast_in_dim3A_6 {add = true} : memref<256xi32, #tpu.memory_space<vmem>>[vector<16xi32>], vector<16xi32>,
    %get3A_192 = arith.constant 832 : index
    %get3A_193 = tpu.vector_load %arg6[%get3A_192] {strides = array<i32>} : memref<1024xi32, #tpu.memory_space<vmem>>, vector<16xi32>,
    %add3A_194 = arith.addi %mul3A_3, %get3A_193 : vector<16xi32>
    tpu.vector_store_idx %arg7[%add3A_194], %broadcast_in_dim3A_6 {add = true} : memref<256xi32, #tpu.memory_space<vmem>>[vector<16xi32>], vector<16xi32>,
    %get3A_195 = arith.constant 848 : index
    %get3A_196 = tpu.vector_load %arg6[%get3A_195] {strides = array<i32>} : memref<1024xi32, #tpu.memory_space<vmem>>, vector<16xi32>,
    %add3A_197 = arith.addi %mul3A_3, %get3A_196 : vector<16xi32>
    tpu.vector_store_idx %arg7[%add3A_197], %broadcast_in_dim3A_6 {add = true} : memref<256xi32, #tpu.memory_space<vmem>>[vector<16xi32>], vector<16xi32>,
    %get3A_198 = arith.constant 864 : index
    %get3A_199 = tpu.vector_load %arg6[%get3A_198] {strides = array<i32>} : memref<1024xi32, #tpu.memory_space<vmem>>, vector<16xi32>,
    %add3A_200 = arith.addi %mul3A_3, %get3A_199 : vector<16xi32>
    tpu.vector_store_idx %arg7[%add3A_200], %broadcast_in_dim3A_6 {add = true} : memref<256xi32, #tpu.memory_space<vmem>>[vector<16xi32>], vector<16xi32>,
    %get3A_201 = arith.constant 880 : index
    %get3A_202 = tpu.vector_load %arg6[%get3A_201] {strides = array<i32>} : memref<1024xi32, #tpu.memory_space<vmem>>, vector<16xi32>,
    %add3A_203 = arith.addi %mul3A_3, %get3A_202 : vector<16xi32>
    tpu.vector_store_idx %arg7[%add3A_203], %broadcast_in_dim3A_6 {add = true} : memref<256xi32, #tpu.memory_space<vmem>>[vector<16xi32>], vector<16xi32>,
    %get3A_204 = arith.constant 896 : index
    %get3A_205 = tpu.vector_load %arg6[%get3A_204] {strides = array<i32>} : memref<1024xi32, #tpu.memory_space<vmem>>, vector<16xi32>,
    %add3A_206 = arith.addi %mul3A_3, %get3A_205 : vector<16xi32>
    tpu.vector_store_idx %arg7[%add3A_206], %broadcast_in_dim3A_6 {add = true} : memref<256xi32, #tpu.memory_space<vmem>>[vector<16xi32>], vector<16xi32>,
    %get3A_207 = arith.constant 912 : index
    %get3A_208 = tpu.vector_load %arg6[%get3A_207] {strides = array<i32>} : memref<1024xi32, #tpu.memory_space<vmem>>, vector<16xi32>,
    %add3A_209 = arith.addi %mul3A_3, %get3A_208 : vector<16xi32>
    tpu.vector_store_idx %arg7[%add3A_209], %broadcast_in_dim3A_6 {add = true} : memref<256xi32, #tpu.memory_space<vmem>>[vector<16xi32>], vector<16xi32>,
    %get3A_210 = arith.constant 928 : index
    %get3A_211 = tpu.vector_load %arg6[%get3A_210] {strides = array<i32>} : memref<1024xi32, #tpu.memory_space<vmem>>, vector<16xi32>,
    %add3A_212 = arith.addi %mul3A_3, %get3A_211 : vector<16xi32>
    tpu.vector_store_idx %arg7[%add3A_212], %broadcast_in_dim3A_6 {add = true} : memref<256xi32, #tpu.memory_space<vmem>>[vector<16xi32>], vector<16xi32>,
    %get3A_213 = arith.constant 944 : index
    %get3A_214 = tpu.vector_load %arg6[%get3A_213] {strides = array<i32>} : memref<1024xi32, #tpu.memory_space<vmem>>, vector<16xi32>,
    %add3A_215 = arith.addi %mul3A_3, %get3A_214 : vector<16xi32>
    tpu.vector_store_idx %arg7[%add3A_215], %broadcast_in_dim3A_6 {add = true} : memref<256xi32, #tpu.memory_space<vmem>>[vector<16xi32>], vector<16xi32>,
    %get3A_216 = arith.constant 960 : index
    %get3A_217 = tpu.vector_load %arg6[%get3A_216] {strides = array<i32>} : memref<1024xi32, #tpu.memory_space<vmem>>, vector<16xi32>,
    %add3A_218 = arith.addi %mul3A_3, %get3A_217 : vector<16xi32>
    tpu.vector_store_idx %arg7[%add3A_218], %broadcast_in_dim3A_6 {add = true} : memref<256xi32, #tpu.memory_space<vmem>>[vector<16xi32>], vector<16xi32>,
    %get3A_219 = arith.constant 976 : index
    %get3A_220 = tpu.vector_load %arg6[%get3A_219] {strides = array<i32>} : memref<1024xi32, #tpu.memory_space<vmem>>, vector<16xi32>,
    %add3A_221 = arith.addi %mul3A_3, %get3A_220 : vector<16xi32>
    tpu.vector_store_idx %arg7[%add3A_221], %broadcast_in_dim3A_6 {add = true} : memref<256xi32, #tpu.memory_space<vmem>>[vector<16xi32>], vector<16xi32>,
    %get3A_222 = arith.constant 992 : index
    %get3A_223 = tpu.vector_load %arg6[%get3A_222] {strides = array<i32>} : memref<1024xi32, #tpu.memory_space<vmem>>, vector<16xi32>,
    %add3A_224 = arith.addi %mul3A_3, %get3A_223 : vector<16xi32>
    tpu.vector_store_idx %arg7[%add3A_224], %broadcast_in_dim3A_6 {add = true} : memref<256xi32, #tpu.memory_space<vmem>>[vector<16xi32>], vector<16xi32>,
    %get3A_225 = arith.constant 1008 : index
    %get3A_226 = tpu.vector_load %arg6[%get3A_225] {strides = array<i32>} : memref<1024xi32, #tpu.memory_space<vmem>>, vector<16xi32>,
    %add3A_227 = arith.addi %mul3A_3, %get3A_226 : vector<16xi32>
    tpu.vector_store_idx %arg7[%add3A_227], %broadcast_in_dim3A_6 {add = true} : memref<256xi32, #tpu.memory_space<vmem>>[vector<16xi32>], vector<16xi32>,
    %get3A_228 = arith.constant 0 : index
    %get3A_229 = tpu.vector_load %arg7[%get3A_228] {strides = array<i32>} : memref<256xi32, #tpu.memory_space<vmem>>, vector<16xi32>,
    %get3A_230 = arith.constant 16 : index
    %get3A_231 = tpu.vector_load %arg7[%get3A_230] {strides = array<i32>} : memref<256xi32, #tpu.memory_space<vmem>>, vector<16xi32>,
    %add3A_232 = arith.addi %get3A_229, %get3A_231 : vector<16xi32>
    %get3A_233 = arith.constant 32 : index
    %get3A_234 = tpu.vector_load %arg7[%get3A_233] {strides = array<i32>} : memref<256xi32, #tpu.memory_space<vmem>>, vector<16xi32>,
    %add3A_235 = arith.addi %add3A_232, %get3A_234 : vector<16xi32>
    %get3A_236 = arith.constant 48 : index
    %get3A_237 = tpu.vector_load %arg7[%get3A_236] {strides = array<i32>} : memref<256xi32, #tpu.memory_space<vmem>>, vector<16xi32>,
    %add3A_238 = arith.addi %add3A_235, %get3A_237 : vector<16xi32>
    %get3A_239 = arith.constant 64 : index
    %get3A_240 = tpu.vector_load %arg7[%get3A_239] {strides = array<i32>} : memref<256xi32, #tpu.memory_space<vmem>>, vector<16xi32>,
    %add3A_241 = arith.addi %add3A_238, %get3A_240 : vector<16xi32>
    %get3A_242 = arith.constant 80 : index
    %get3A_243 = tpu.vector_load %arg7[%get3A_242] {strides = array<i32>} : memref<256xi32, #tpu.memory_space<vmem>>, vector<16xi32>,
    %add3A_244 = arith.addi %add3A_241, %get3A_243 : vector<16xi32>
    %get3A_245 = arith.constant 96 : index
    %get3A_246 = tpu.vector_load %arg7[%get3A_245] {strides = array<i32>} : memref<256xi32, #tpu.memory_space<vmem>>, vector<16xi32>,
    %add3A_247 = arith.addi %add3A_244, %get3A_246 : vector<16xi32>
    %get3A_248 = arith.constant 112 : index
    %get3A_249 = tpu.vector_load %arg7[%get3A_248] {strides = array<i32>} : memref<256xi32, #tpu.memory_space<vmem>>, vector<16xi32>,
    %add3A_250 = arith.addi %add3A_247, %get3A_249 : vector<16xi32>
    %get3A_251 = arith.constant 128 : index
    %get3A_252 = tpu.vector_load %arg7[%get3A_251] {strides = array<i32>} : memref<256xi32, #tpu.memory_space<vmem>>, vector<16xi32>,
    %add3A_253 = arith.addi %add3A_250, %get3A_252 : vector<16xi32>
    %get3A_254 = arith.constant 144 : index
    %get3A_255 = tpu.vector_load %arg7[%get3A_254] {strides = array<i32>} : memref<256xi32, #tpu.memory_space<vmem>>, vector<16xi32>,
    %add3A_256 = arith.addi %add3A_253, %get3A_255 : vector<16xi32>
    %get3A_257 = arith.constant 160 : index
    %get3A_258 = tpu.vector_load %arg7[%get3A_257] {strides = array<i32>} : memref<256xi32, #tpu.memory_space<vmem>>, vector<16xi32>,
    %add3A_259 = arith.addi %add3A_256, %get3A_258 : vector<16xi32>
    %get3A_260 = arith.constant 176 : index
    %get3A_261 = tpu.vector_load %arg7[%get3A_260] {strides = array<i32>} : memref<256xi32, #tpu.memory_space<vmem>>, vector<16xi32>,
    %add3A_262 = arith.addi %add3A_259, %get3A_261 : vector<16xi32>
    %get3A_263 = arith.constant 192 : index
    %get3A_264 = tpu.vector_load %arg7[%get3A_263] {strides = array<i32>} : memref<256xi32, #tpu.memory_space<vmem>>, vector<16xi32>,
    %add3A_265 = arith.addi %add3A_262, %get3A_264 : vector<16xi32>
    %get3A_266 = arith.constant 208 : index
    %get3A_267 = tpu.vector_load %arg7[%get3A_266] {strides = array<i32>} : memref<256xi32, #tpu.memory_space<vmem>>, vector<16xi32>,
    %add3A_268 = arith.addi %add3A_265, %get3A_267 : vector<16xi32>
    %get3A_269 = arith.constant 224 : index
    %get3A_270 = tpu.vector_load %arg7[%get3A_269] {strides = array<i32>} : memref<256xi32, #tpu.memory_space<vmem>>, vector<16xi32>,
    %add3A_271 = arith.addi %add3A_268, %get3A_270 : vector<16xi32>
    %get3A_272 = arith.constant 240 : index
    %get3A_273 = tpu.vector_load %arg7[%get3A_272] {strides = array<i32>} : memref<256xi32, #tpu.memory_space<vmem>>, vector<16xi32>,
    %add3A_274 = arith.addi %add3A_271, %get3A_273 : vector<16xi32>
    %swap3A_275 = arith.constant 0 : index
    %swap3A_276 = tpu.vector_load %arg7[%swap3A_275] {strides = array<i32>} : memref<256xi32, #tpu.memory_space<vmem>>, vector<16xi32>,
    tpu.vector_store %arg7[%swap3A_275], %add3A_274 {strides = array<i32>} : memref<256xi32, #tpu.memory_space<vmem>>, vector<16xi32>,
    %mul3A_277 = arith.constant 16 : i32
    %mul3A_278 = arith.muli %arg1, %mul3A_277 : i32
    "tpu.region"() ({
      %run_scoped3A = tpu.sem_alloc : memref<!tpu.dma_semaphore, #tpu.memory_space<semaphore_mem>>
      %dma_start3A = arith.constant 0 : i32
      %dma_start3A_746 = tpu.memref_slice %arg7[%dma_start3A] : memref<256xi32, #tpu.memory_space<vmem>> -> memref<16xi32, #tpu.memory_space<vmem>>
      %dma_start3A_747 = tpu.memref_slice %arg13[%mul3A_278] : memref<256xi32, #tpu.memory_space<vmem_shared>> -> memref<16xi32, #tpu.memory_space<vmem_shared>>
      %dma_start3A_748 = tpu.memref_slice %arg13[%mul3A_278] : memref<256xi32, #tpu.memory_space<vmem_shared>> -> memref<16xi32, #tpu.memory_space<vmem_shared>>
      %dma_start3A_749 = arith.constant 0 : i32
      %dma_start3A_750 = tpu.memref_slice %arg7[%dma_start3A_749] : memref<256xi32, #tpu.memory_space<vmem>> -> memref<16xi32, #tpu.memory_space<vmem>>
      tpu.enqueue_dma source(%dma_start3A_750 : memref<16xi32, #tpu.memory_space<vmem>>) target(%dma_start3A_748 : memref<16xi32, #tpu.memory_space<vmem_shared>>) target_semaphore(%run_scoped3A : memref<!tpu.dma_semaphore, #tpu.memory_space<semaphore_mem>>)
      %dma_wait3A = arith.constant 0 : i32
      %dma_wait3A_751 = tpu.memref_slice %arg7[%dma_wait3A] : memref<256xi32, #tpu.memory_space<vmem>> -> memref<16xi32, #tpu.memory_space<vmem>>
      %dma_wait3A_752 = tpu.memref_slice %arg13[%mul3A_278] : memref<256xi32, #tpu.memory_space<vmem_shared>> -> memref<16xi32, #tpu.memory_space<vmem_shared>>
      %dma_wait3A_753 = tpu.memref_slice %arg13[%mul3A_278] : memref<256xi32, #tpu.memory_space<vmem_shared>> -> memref<16xi32, #tpu.memory_space<vmem_shared>>
      %dma_wait3A_754 = arith.constant 0 : i32
      %dma_wait3A_755 = tpu.memref_slice %arg7[%dma_wait3A_754] : memref<256xi32, #tpu.memory_space<vmem>> -> memref<16xi32, #tpu.memory_space<vmem>>
      tpu.wait_dma2 semaphore(%run_scoped3A : memref<!tpu.dma_semaphore, #tpu.memory_space<semaphore_mem>>) src(%dma_wait3A_755 : memref<16xi32, #tpu.memory_space<vmem>>) dst(%dma_wait3A_753 : memref<16xi32, #tpu.memory_space<vmem_shared>>)
      tpu.yield
    }) : () -> ()
    %barrier3A = arith.constant 0 : index
    tpu.barrier barrier_id(%barrier3A)
    "tpu.region"() ({
      %run_scoped3A = tpu.sem_alloc : memref<!tpu.dma_semaphore, #tpu.memory_space<semaphore_mem>>
      tpu.enqueue_dma source(%arg13 : memref<256xi32, #tpu.memory_space<vmem_shared>>) target(%arg8 : memref<256xi32, #tpu.memory_space<vmem>>) target_semaphore(%run_scoped3A : memref<!tpu.dma_semaphore, #tpu.memory_space<semaphore_mem>>)
      tpu.wait_dma2 semaphore(%run_scoped3A : memref<!tpu.dma_semaphore, #tpu.memory_space<semaphore_mem>>) src(%arg13 : memref<256xi32, #tpu.memory_space<vmem_shared>>) dst(%arg8 : memref<256xi32, #tpu.memory_space<vmem>>)
      tpu.yield
    }) : () -> ()
    %get3A_279 = arith.constant 0 : index
    %get3A_280 = tpu.vector_load %arg8[%get3A_279] {strides = array<i32>} : memref<256xi32, #tpu.memory_space<vmem>>, vector<16xi32>,
    %get3A_281 = arith.constant 16 : index
    %get3A_282 = tpu.vector_load %arg8[%get3A_281] {strides = array<i32>} : memref<256xi32, #tpu.memory_space<vmem>>, vector<16xi32>,
    %add3A_283 = arith.addi %get3A_280, %get3A_282 : vector<16xi32>
    %get3A_284 = arith.constant 32 : index
    %get3A_285 = tpu.vector_load %arg8[%get3A_284] {strides = array<i32>} : memref<256xi32, #tpu.memory_space<vmem>>, vector<16xi32>,
    %add3A_286 = arith.addi %add3A_283, %get3A_285 : vector<16xi32>
    %get3A_287 = arith.constant 48 : index
    %get3A_288 = tpu.vector_load %arg8[%get3A_287] {strides = array<i32>} : memref<256xi32, #tpu.memory_space<vmem>>, vector<16xi32>,
    %add3A_289 = arith.addi %add3A_286, %get3A_288 : vector<16xi32>
    %get3A_290 = arith.constant 64 : index
    %get3A_291 = tpu.vector_load %arg8[%get3A_290] {strides = array<i32>} : memref<256xi32, #tpu.memory_space<vmem>>, vector<16xi32>,
    %add3A_292 = arith.addi %add3A_289, %get3A_291 : vector<16xi32>
    %get3A_293 = arith.constant 80 : index
    %get3A_294 = tpu.vector_load %arg8[%get3A_293] {strides = array<i32>} : memref<256xi32, #tpu.memory_space<vmem>>, vector<16xi32>,
    %add3A_295 = arith.addi %add3A_292, %get3A_294 : vector<16xi32>
    %get3A_296 = arith.constant 96 : index
    %get3A_297 = tpu.vector_load %arg8[%get3A_296] {strides = array<i32>} : memref<256xi32, #tpu.memory_space<vmem>>, vector<16xi32>,
    %add3A_298 = arith.addi %add3A_295, %get3A_297 : vector<16xi32>
    %get3A_299 = arith.constant 112 : index
    %get3A_300 = tpu.vector_load %arg8[%get3A_299] {strides = array<i32>} : memref<256xi32, #tpu.memory_space<vmem>>, vector<16xi32>,
    %add3A_301 = arith.addi %add3A_298, %get3A_300 : vector<16xi32>
    %get3A_302 = arith.constant 128 : index
    %get3A_303 = tpu.vector_load %arg8[%get3A_302] {strides = array<i32>} : memref<256xi32, #tpu.memory_space<vmem>>, vector<16xi32>,
    %add3A_304 = arith.addi %add3A_301, %get3A_303 : vector<16xi32>
    %get3A_305 = arith.constant 144 : index
    %get3A_306 = tpu.vector_load %arg8[%get3A_305] {strides = array<i32>} : memref<256xi32, #tpu.memory_space<vmem>>, vector<16xi32>,
    %add3A_307 = arith.addi %add3A_304, %get3A_306 : vector<16xi32>
    %get3A_308 = arith.constant 160 : index
    %get3A_309 = tpu.vector_load %arg8[%get3A_308] {strides = array<i32>} : memref<256xi32, #tpu.memory_space<vmem>>, vector<16xi32>,
    %add3A_310 = arith.addi %add3A_307, %get3A_309 : vector<16xi32>
    %get3A_311 = arith.constant 176 : index
    %get3A_312 = tpu.vector_load %arg8[%get3A_311] {strides = array<i32>} : memref<256xi32, #tpu.memory_space<vmem>>, vector<16xi32>,
    %add3A_313 = arith.addi %add3A_310, %get3A_312 : vector<16xi32>
    %get3A_314 = arith.constant 192 : index
    %get3A_315 = tpu.vector_load %arg8[%get3A_314] {strides = array<i32>} : memref<256xi32, #tpu.memory_space<vmem>>, vector<16xi32>,
    %add3A_316 = arith.addi %add3A_313, %get3A_315 : vector<16xi32>
    %get3A_317 = arith.constant 208 : index
    %get3A_318 = tpu.vector_load %arg8[%get3A_317] {strides = array<i32>} : memref<256xi32, #tpu.memory_space<vmem>>, vector<16xi32>,
    %add3A_319 = arith.addi %add3A_316, %get3A_318 : vector<16xi32>
    %get3A_320 = arith.constant 224 : index
    %get3A_321 = tpu.vector_load %arg8[%get3A_320] {strides = array<i32>} : memref<256xi32, #tpu.memory_space<vmem>>, vector<16xi32>,
    %add3A_322 = arith.addi %add3A_319, %get3A_321 : vector<16xi32>
    %get3A_323 = arith.constant 240 : index
    %get3A_324 = tpu.vector_load %arg8[%get3A_323] {strides = array<i32>} : memref<256xi32, #tpu.memory_space<vmem>>, vector<16xi32>,
    %add3A_325 = arith.addi %add3A_322, %get3A_324 : vector<16xi32>
    %convert_element_type3A = arith.sitofp %add3A_325 : vector<16xi32> to vector<16xf32>
    %div3A = arith.constant 1.000000e+00 : f32
    %div3A_326 = vector.broadcast %div3A : f32 to vector<16xf32>
    %div3A_327 = arith.divf %div3A_326, %convert_element_type3A : vector<16xf32>
    %swap3A_328 = arith.constant 0 : index
    %swap3A_329 = tpu.vector_load %arg9[%swap3A_328] {strides = array<i32>} : memref<256xf32, #tpu.memory_space<vmem>>, vector<16xf32>,
    tpu.vector_store %arg9[%swap3A_328], %div3A_327 {strides = array<i32>} : memref<256xf32, #tpu.memory_space<vmem>>, vector<16xf32>,
    %swap3A_330 = arith.constant 16 : index
    %swap3A_331 = tpu.vector_load %arg9[%swap3A_330] {strides = array<i32>} : memref<256xf32, #tpu.memory_space<vmem>>, vector<16xf32>,
    tpu.vector_store %arg9[%swap3A_330], %div3A_327 {strides = array<i32>} : memref<256xf32, #tpu.memory_space<vmem>>, vector<16xf32>,
    %swap3A_332 = arith.constant 32 : index
    %swap3A_333 = tpu.vector_load %arg9[%swap3A_332] {strides = array<i32>} : memref<256xf32, #tpu.memory_space<vmem>>, vector<16xf32>,
    tpu.vector_store %arg9[%swap3A_332], %div3A_327 {strides = array<i32>} : memref<256xf32, #tpu.memory_space<vmem>>, vector<16xf32>,
    %swap3A_334 = arith.constant 48 : index
    %swap3A_335 = tpu.vector_load %arg9[%swap3A_334] {strides = array<i32>} : memref<256xf32, #tpu.memory_space<vmem>>, vector<16xf32>,
    tpu.vector_store %arg9[%swap3A_334], %div3A_327 {strides = array<i32>} : memref<256xf32, #tpu.memory_space<vmem>>, vector<16xf32>,
    %swap3A_336 = arith.constant 64 : index
    %swap3A_337 = tpu.vector_load %arg9[%swap3A_336] {strides = array<i32>} : memref<256xf32, #tpu.memory_space<vmem>>, vector<16xf32>,
    tpu.vector_store %arg9[%swap3A_336], %div3A_327 {strides = array<i32>} : memref<256xf32, #tpu.memory_space<vmem>>, vector<16xf32>,
    %swap3A_338 = arith.constant 80 : index
    %swap3A_339 = tpu.vector_load %arg9[%swap3A_338] {strides = array<i32>} : memref<256xf32, #tpu.memory_space<vmem>>, vector<16xf32>,
    tpu.vector_store %arg9[%swap3A_338], %div3A_327 {strides = array<i32>} : memref<256xf32, #tpu.memory_space<vmem>>, vector<16xf32>,
    %swap3A_340 = arith.constant 96 : index
    %swap3A_341 = tpu.vector_load %arg9[%swap3A_340] {strides = array<i32>} : memref<256xf32, #tpu.memory_space<vmem>>, vector<16xf32>,
    tpu.vector_store %arg9[%swap3A_340], %div3A_327 {strides = array<i32>} : memref<256xf32, #tpu.memory_space<vmem>>, vector<16xf32>,
    %swap3A_342 = arith.constant 112 : index
    %swap3A_343 = tpu.vector_load %arg9[%swap3A_342] {strides = array<i32>} : memref<256xf32, #tpu.memory_space<vmem>>, vector<16xf32>,
    tpu.vector_store %arg9[%swap3A_342], %div3A_327 {strides = array<i32>} : memref<256xf32, #tpu.memory_space<vmem>>, vector<16xf32>,
    %swap3A_344 = arith.constant 128 : index
    %swap3A_345 = tpu.vector_load %arg9[%swap3A_344] {strides = array<i32>} : memref<256xf32, #tpu.memory_space<vmem>>, vector<16xf32>,
    tpu.vector_store %arg9[%swap3A_344], %div3A_327 {strides = array<i32>} : memref<256xf32, #tpu.memory_space<vmem>>, vector<16xf32>,
    %swap3A_346 = arith.constant 144 : index
    %swap3A_347 = tpu.vector_load %arg9[%swap3A_346] {strides = array<i32>} : memref<256xf32, #tpu.memory_space<vmem>>, vector<16xf32>,
    tpu.vector_store %arg9[%swap3A_346], %div3A_327 {strides = array<i32>} : memref<256xf32, #tpu.memory_space<vmem>>, vector<16xf32>,
    %swap3A_348 = arith.constant 160 : index
    %swap3A_349 = tpu.vector_load %arg9[%swap3A_348] {strides = array<i32>} : memref<256xf32, #tpu.memory_space<vmem>>, vector<16xf32>,
    tpu.vector_store %arg9[%swap3A_348], %div3A_327 {strides = array<i32>} : memref<256xf32, #tpu.memory_space<vmem>>, vector<16xf32>,
    %swap3A_350 = arith.constant 176 : index
    %swap3A_351 = tpu.vector_load %arg9[%swap3A_350] {strides = array<i32>} : memref<256xf32, #tpu.memory_space<vmem>>, vector<16xf32>,
    tpu.vector_store %arg9[%swap3A_350], %div3A_327 {strides = array<i32>} : memref<256xf32, #tpu.memory_space<vmem>>, vector<16xf32>,
    %swap3A_352 = arith.constant 192 : index
    %swap3A_353 = tpu.vector_load %arg9[%swap3A_352] {strides = array<i32>} : memref<256xf32, #tpu.memory_space<vmem>>, vector<16xf32>,
    tpu.vector_store %arg9[%swap3A_352], %div3A_327 {strides = array<i32>} : memref<256xf32, #tpu.memory_space<vmem>>, vector<16xf32>,
    %swap3A_354 = arith.constant 208 : index
    %swap3A_355 = tpu.vector_load %arg9[%swap3A_354] {strides = array<i32>} : memref<256xf32, #tpu.memory_space<vmem>>, vector<16xf32>,
    tpu.vector_store %arg9[%swap3A_354], %div3A_327 {strides = array<i32>} : memref<256xf32, #tpu.memory_space<vmem>>, vector<16xf32>,
    %swap3A_356 = arith.constant 224 : index
    %swap3A_357 = tpu.vector_load %arg9[%swap3A_356] {strides = array<i32>} : memref<256xf32, #tpu.memory_space<vmem>>, vector<16xf32>,
    tpu.vector_store %arg9[%swap3A_356], %div3A_327 {strides = array<i32>} : memref<256xf32, #tpu.memory_space<vmem>>, vector<16xf32>,
    %swap3A_358 = arith.constant 240 : index
    %swap3A_359 = tpu.vector_load %arg9[%swap3A_358] {strides = array<i32>} : memref<256xf32, #tpu.memory_space<vmem>>, vector<16xf32>,
    tpu.vector_store %arg9[%swap3A_358], %div3A_327 {strides = array<i32>} : memref<256xf32, #tpu.memory_space<vmem>>, vector<16xf32>,
    %get3A_360 = arith.constant 0 : index
    %get3A_361 = tpu.vector_load %arg6[%get3A_360] {strides = array<i32>} : memref<1024xi32, #tpu.memory_space<vmem>>, vector<16xi32>,
    %add3A_362 = arith.addi %mul3A_3, %get3A_361 : vector<16xi32>
    %gather3A = tpu.vector_load_idx %arg9[%add3A_362] : memref<256xf32, #tpu.memory_space<vmem>>[vector<16xi32>], vector<16xf32>,
    %swap3A_363 = arith.constant 0 : index
    %swap3A_364 = tpu.vector_load %arg10[%swap3A_363] {strides = array<i32>} : memref<1024xf32, #tpu.memory_space<vmem>>, vector<16xf32>,
    tpu.vector_store %arg10[%swap3A_363], %gather3A {strides = array<i32>} : memref<1024xf32, #tpu.memory_space<vmem>>, vector<16xf32>,
    %get3A_365 = arith.constant 16 : index
    %get3A_366 = tpu.vector_load %arg6[%get3A_365] {strides = array<i32>} : memref<1024xi32, #tpu.memory_space<vmem>>, vector<16xi32>,
    %add3A_367 = arith.addi %mul3A_3, %get3A_366 : vector<16xi32>
    %gather3A_368 = tpu.vector_load_idx %arg9[%add3A_367] : memref<256xf32, #tpu.memory_space<vmem>>[vector<16xi32>], vector<16xf32>,
    %swap3A_369 = arith.constant 16 : index
    %swap3A_370 = tpu.vector_load %arg10[%swap3A_369] {strides = array<i32>} : memref<1024xf32, #tpu.memory_space<vmem>>, vector<16xf32>,
    tpu.vector_store %arg10[%swap3A_369], %gather3A_368 {strides = array<i32>} : memref<1024xf32, #tpu.memory_space<vmem>>, vector<16xf32>,
    %get3A_371 = arith.constant 32 : index
    %get3A_372 = tpu.vector_load %arg6[%get3A_371] {strides = array<i32>} : memref<1024xi32, #tpu.memory_space<vmem>>, vector<16xi32>,
    %add3A_373 = arith.addi %mul3A_3, %get3A_372 : vector<16xi32>
    %gather3A_374 = tpu.vector_load_idx %arg9[%add3A_373] : memref<256xf32, #tpu.memory_space<vmem>>[vector<16xi32>], vector<16xf32>,
    %swap3A_375 = arith.constant 32 : index
    %swap3A_376 = tpu.vector_load %arg10[%swap3A_375] {strides = array<i32>} : memref<1024xf32, #tpu.memory_space<vmem>>, vector<16xf32>,
    tpu.vector_store %arg10[%swap3A_375], %gather3A_374 {strides = array<i32>} : memref<1024xf32, #tpu.memory_space<vmem>>, vector<16xf32>,
    %get3A_377 = arith.constant 48 : index
    %get3A_378 = tpu.vector_load %arg6[%get3A_377] {strides = array<i32>} : memref<1024xi32, #tpu.memory_space<vmem>>, vector<16xi32>,
    %add3A_379 = arith.addi %mul3A_3, %get3A_378 : vector<16xi32>
    %gather3A_380 = tpu.vector_load_idx %arg9[%add3A_379] : memref<256xf32, #tpu.memory_space<vmem>>[vector<16xi32>], vector<16xf32>,
    %swap3A_381 = arith.constant 48 : index
    %swap3A_382 = tpu.vector_load %arg10[%swap3A_381] {strides = array<i32>} : memref<1024xf32, #tpu.memory_space<vmem>>, vector<16xf32>,
    tpu.vector_store %arg10[%swap3A_381], %gather3A_380 {strides = array<i32>} : memref<1024xf32, #tpu.memory_space<vmem>>, vector<16xf32>,
    %get3A_383 = arith.constant 64 : index
    %get3A_384 = tpu.vector_load %arg6[%get3A_383] {strides = array<i32>} : memref<1024xi32, #tpu.memory_space<vmem>>, vector<16xi32>,
    %add3A_385 = arith.addi %mul3A_3, %get3A_384 : vector<16xi32>
    %gather3A_386 = tpu.vector_load_idx %arg9[%add3A_385] : memref<256xf32, #tpu.memory_space<vmem>>[vector<16xi32>], vector<16xf32>,
    %swap3A_387 = arith.constant 64 : index
    %swap3A_388 = tpu.vector_load %arg10[%swap3A_387] {strides = array<i32>} : memref<1024xf32, #tpu.memory_space<vmem>>, vector<16xf32>,
    tpu.vector_store %arg10[%swap3A_387], %gather3A_386 {strides = array<i32>} : memref<1024xf32, #tpu.memory_space<vmem>>, vector<16xf32>,
    %get3A_389 = arith.constant 80 : index
    %get3A_390 = tpu.vector_load %arg6[%get3A_389] {strides = array<i32>} : memref<1024xi32, #tpu.memory_space<vmem>>, vector<16xi32>,
    %add3A_391 = arith.addi %mul3A_3, %get3A_390 : vector<16xi32>
    %gather3A_392 = tpu.vector_load_idx %arg9[%add3A_391] : memref<256xf32, #tpu.memory_space<vmem>>[vector<16xi32>], vector<16xf32>,
    %swap3A_393 = arith.constant 80 : index
    %swap3A_394 = tpu.vector_load %arg10[%swap3A_393] {strides = array<i32>} : memref<1024xf32, #tpu.memory_space<vmem>>, vector<16xf32>,
    tpu.vector_store %arg10[%swap3A_393], %gather3A_392 {strides = array<i32>} : memref<1024xf32, #tpu.memory_space<vmem>>, vector<16xf32>,
    %get3A_395 = arith.constant 96 : index
    %get3A_396 = tpu.vector_load %arg6[%get3A_395] {strides = array<i32>} : memref<1024xi32, #tpu.memory_space<vmem>>, vector<16xi32>,
    %add3A_397 = arith.addi %mul3A_3, %get3A_396 : vector<16xi32>
    %gather3A_398 = tpu.vector_load_idx %arg9[%add3A_397] : memref<256xf32, #tpu.memory_space<vmem>>[vector<16xi32>], vector<16xf32>,
    %swap3A_399 = arith.constant 96 : index
    %swap3A_400 = tpu.vector_load %arg10[%swap3A_399] {strides = array<i32>} : memref<1024xf32, #tpu.memory_space<vmem>>, vector<16xf32>,
    tpu.vector_store %arg10[%swap3A_399], %gather3A_398 {strides = array<i32>} : memref<1024xf32, #tpu.memory_space<vmem>>, vector<16xf32>,
    %get3A_401 = arith.constant 112 : index
    %get3A_402 = tpu.vector_load %arg6[%get3A_401] {strides = array<i32>} : memref<1024xi32, #tpu.memory_space<vmem>>, vector<16xi32>,
    %add3A_403 = arith.addi %mul3A_3, %get3A_402 : vector<16xi32>
    %gather3A_404 = tpu.vector_load_idx %arg9[%add3A_403] : memref<256xf32, #tpu.memory_space<vmem>>[vector<16xi32>], vector<16xf32>,
    %swap3A_405 = arith.constant 112 : index
    %swap3A_406 = tpu.vector_load %arg10[%swap3A_405] {strides = array<i32>} : memref<1024xf32, #tpu.memory_space<vmem>>, vector<16xf32>,
    tpu.vector_store %arg10[%swap3A_405], %gather3A_404 {strides = array<i32>} : memref<1024xf32, #tpu.memory_space<vmem>>, vector<16xf32>,
    %get3A_407 = arith.constant 128 : index
    %get3A_408 = tpu.vector_load %arg6[%get3A_407] {strides = array<i32>} : memref<1024xi32, #tpu.memory_space<vmem>>, vector<16xi32>,
    %add3A_409 = arith.addi %mul3A_3, %get3A_408 : vector<16xi32>
    %gather3A_410 = tpu.vector_load_idx %arg9[%add3A_409] : memref<256xf32, #tpu.memory_space<vmem>>[vector<16xi32>], vector<16xf32>,
    %swap3A_411 = arith.constant 128 : index
    %swap3A_412 = tpu.vector_load %arg10[%swap3A_411] {strides = array<i32>} : memref<1024xf32, #tpu.memory_space<vmem>>, vector<16xf32>,
    tpu.vector_store %arg10[%swap3A_411], %gather3A_410 {strides = array<i32>} : memref<1024xf32, #tpu.memory_space<vmem>>, vector<16xf32>,
    %get3A_413 = arith.constant 144 : index
    %get3A_414 = tpu.vector_load %arg6[%get3A_413] {strides = array<i32>} : memref<1024xi32, #tpu.memory_space<vmem>>, vector<16xi32>,
    %add3A_415 = arith.addi %mul3A_3, %get3A_414 : vector<16xi32>
    %gather3A_416 = tpu.vector_load_idx %arg9[%add3A_415] : memref<256xf32, #tpu.memory_space<vmem>>[vector<16xi32>], vector<16xf32>,
    %swap3A_417 = arith.constant 144 : index
    %swap3A_418 = tpu.vector_load %arg10[%swap3A_417] {strides = array<i32>} : memref<1024xf32, #tpu.memory_space<vmem>>, vector<16xf32>,
    tpu.vector_store %arg10[%swap3A_417], %gather3A_416 {strides = array<i32>} : memref<1024xf32, #tpu.memory_space<vmem>>, vector<16xf32>,
    %get3A_419 = arith.constant 160 : index
    %get3A_420 = tpu.vector_load %arg6[%get3A_419] {strides = array<i32>} : memref<1024xi32, #tpu.memory_space<vmem>>, vector<16xi32>,
    %add3A_421 = arith.addi %mul3A_3, %get3A_420 : vector<16xi32>
    %gather3A_422 = tpu.vector_load_idx %arg9[%add3A_421] : memref<256xf32, #tpu.memory_space<vmem>>[vector<16xi32>], vector<16xf32>,
    %swap3A_423 = arith.constant 160 : index
    %swap3A_424 = tpu.vector_load %arg10[%swap3A_423] {strides = array<i32>} : memref<1024xf32, #tpu.memory_space<vmem>>, vector<16xf32>,
    tpu.vector_store %arg10[%swap3A_423], %gather3A_422 {strides = array<i32>} : memref<1024xf32, #tpu.memory_space<vmem>>, vector<16xf32>,
    %get3A_425 = arith.constant 176 : index
    %get3A_426 = tpu.vector_load %arg6[%get3A_425] {strides = array<i32>} : memref<1024xi32, #tpu.memory_space<vmem>>, vector<16xi32>,
    %add3A_427 = arith.addi %mul3A_3, %get3A_426 : vector<16xi32>
    %gather3A_428 = tpu.vector_load_idx %arg9[%add3A_427] : memref<256xf32, #tpu.memory_space<vmem>>[vector<16xi32>], vector<16xf32>,
    %swap3A_429 = arith.constant 176 : index
    %swap3A_430 = tpu.vector_load %arg10[%swap3A_429] {strides = array<i32>} : memref<1024xf32, #tpu.memory_space<vmem>>, vector<16xf32>,
    tpu.vector_store %arg10[%swap3A_429], %gather3A_428 {strides = array<i32>} : memref<1024xf32, #tpu.memory_space<vmem>>, vector<16xf32>,
    %get3A_431 = arith.constant 192 : index
    %get3A_432 = tpu.vector_load %arg6[%get3A_431] {strides = array<i32>} : memref<1024xi32, #tpu.memory_space<vmem>>, vector<16xi32>,
    %add3A_433 = arith.addi %mul3A_3, %get3A_432 : vector<16xi32>
    %gather3A_434 = tpu.vector_load_idx %arg9[%add3A_433] : memref<256xf32, #tpu.memory_space<vmem>>[vector<16xi32>], vector<16xf32>,
    %swap3A_435 = arith.constant 192 : index
    %swap3A_436 = tpu.vector_load %arg10[%swap3A_435] {strides = array<i32>} : memref<1024xf32, #tpu.memory_space<vmem>>, vector<16xf32>,
    tpu.vector_store %arg10[%swap3A_435], %gather3A_434 {strides = array<i32>} : memref<1024xf32, #tpu.memory_space<vmem>>, vector<16xf32>,
    %get3A_437 = arith.constant 208 : index
    %get3A_438 = tpu.vector_load %arg6[%get3A_437] {strides = array<i32>} : memref<1024xi32, #tpu.memory_space<vmem>>, vector<16xi32>,
    %add3A_439 = arith.addi %mul3A_3, %get3A_438 : vector<16xi32>
    %gather3A_440 = tpu.vector_load_idx %arg9[%add3A_439] : memref<256xf32, #tpu.memory_space<vmem>>[vector<16xi32>], vector<16xf32>,
    %swap3A_441 = arith.constant 208 : index
    %swap3A_442 = tpu.vector_load %arg10[%swap3A_441] {strides = array<i32>} : memref<1024xf32, #tpu.memory_space<vmem>>, vector<16xf32>,
    tpu.vector_store %arg10[%swap3A_441], %gather3A_440 {strides = array<i32>} : memref<1024xf32, #tpu.memory_space<vmem>>, vector<16xf32>,
    %get3A_443 = arith.constant 224 : index
    %get3A_444 = tpu.vector_load %arg6[%get3A_443] {strides = array<i32>} : memref<1024xi32, #tpu.memory_space<vmem>>, vector<16xi32>,
    %add3A_445 = arith.addi %mul3A_3, %get3A_444 : vector<16xi32>
    %gather3A_446 = tpu.vector_load_idx %arg9[%add3A_445] : memref<256xf32, #tpu.memory_space<vmem>>[vector<16xi32>], vector<16xf32>,
    %swap3A_447 = arith.constant 224 : index
    %swap3A_448 = tpu.vector_load %arg10[%swap3A_447] {strides = array<i32>} : memref<1024xf32, #tpu.memory_space<vmem>>, vector<16xf32>,
    tpu.vector_store %arg10[%swap3A_447], %gather3A_446 {strides = array<i32>} : memref<1024xf32, #tpu.memory_space<vmem>>, vector<16xf32>,
    %get3A_449 = arith.constant 240 : index
    %get3A_450 = tpu.vector_load %arg6[%get3A_449] {strides = array<i32>} : memref<1024xi32, #tpu.memory_space<vmem>>, vector<16xi32>,
    %add3A_451 = arith.addi %mul3A_3, %get3A_450 : vector<16xi32>
    %gather3A_452 = tpu.vector_load_idx %arg9[%add3A_451] : memref<256xf32, #tpu.memory_space<vmem>>[vector<16xi32>], vector<16xf32>,
    %swap3A_453 = arith.constant 240 : index
    %swap3A_454 = tpu.vector_load %arg10[%swap3A_453] {strides = array<i32>} : memref<1024xf32, #tpu.memory_space<vmem>>, vector<16xf32>,
    tpu.vector_store %arg10[%swap3A_453], %gather3A_452 {strides = array<i32>} : memref<1024xf32, #tpu.memory_space<vmem>>, vector<16xf32>,
    %get3A_455 = arith.constant 256 : index
    %get3A_456 = tpu.vector_load %arg6[%get3A_455] {strides = array<i32>} : memref<1024xi32, #tpu.memory_space<vmem>>, vector<16xi32>,
    %add3A_457 = arith.addi %mul3A_3, %get3A_456 : vector<16xi32>
    %gather3A_458 = tpu.vector_load_idx %arg9[%add3A_457] : memref<256xf32, #tpu.memory_space<vmem>>[vector<16xi32>], vector<16xf32>,
    %swap3A_459 = arith.constant 256 : index
    %swap3A_460 = tpu.vector_load %arg10[%swap3A_459] {strides = array<i32>} : memref<1024xf32, #tpu.memory_space<vmem>>, vector<16xf32>,
    tpu.vector_store %arg10[%swap3A_459], %gather3A_458 {strides = array<i32>} : memref<1024xf32, #tpu.memory_space<vmem>>, vector<16xf32>,
    %get3A_461 = arith.constant 272 : index
    %get3A_462 = tpu.vector_load %arg6[%get3A_461] {strides = array<i32>} : memref<1024xi32, #tpu.memory_space<vmem>>, vector<16xi32>,
    %add3A_463 = arith.addi %mul3A_3, %get3A_462 : vector<16xi32>
    %gather3A_464 = tpu.vector_load_idx %arg9[%add3A_463] : memref<256xf32, #tpu.memory_space<vmem>>[vector<16xi32>], vector<16xf32>,
    %swap3A_465 = arith.constant 272 : index
    %swap3A_466 = tpu.vector_load %arg10[%swap3A_465] {strides = array<i32>} : memref<1024xf32, #tpu.memory_space<vmem>>, vector<16xf32>,
    tpu.vector_store %arg10[%swap3A_465], %gather3A_464 {strides = array<i32>} : memref<1024xf32, #tpu.memory_space<vmem>>, vector<16xf32>,
    %get3A_467 = arith.constant 288 : index
    %get3A_468 = tpu.vector_load %arg6[%get3A_467] {strides = array<i32>} : memref<1024xi32, #tpu.memory_space<vmem>>, vector<16xi32>,
    %add3A_469 = arith.addi %mul3A_3, %get3A_468 : vector<16xi32>
    %gather3A_470 = tpu.vector_load_idx %arg9[%add3A_469] : memref<256xf32, #tpu.memory_space<vmem>>[vector<16xi32>], vector<16xf32>,
    %swap3A_471 = arith.constant 288 : index
    %swap3A_472 = tpu.vector_load %arg10[%swap3A_471] {strides = array<i32>} : memref<1024xf32, #tpu.memory_space<vmem>>, vector<16xf32>,
    tpu.vector_store %arg10[%swap3A_471], %gather3A_470 {strides = array<i32>} : memref<1024xf32, #tpu.memory_space<vmem>>, vector<16xf32>,
    %get3A_473 = arith.constant 304 : index
    %get3A_474 = tpu.vector_load %arg6[%get3A_473] {strides = array<i32>} : memref<1024xi32, #tpu.memory_space<vmem>>, vector<16xi32>,
    %add3A_475 = arith.addi %mul3A_3, %get3A_474 : vector<16xi32>
    %gather3A_476 = tpu.vector_load_idx %arg9[%add3A_475] : memref<256xf32, #tpu.memory_space<vmem>>[vector<16xi32>], vector<16xf32>,
    %swap3A_477 = arith.constant 304 : index
    %swap3A_478 = tpu.vector_load %arg10[%swap3A_477] {strides = array<i32>} : memref<1024xf32, #tpu.memory_space<vmem>>, vector<16xf32>,
    tpu.vector_store %arg10[%swap3A_477], %gather3A_476 {strides = array<i32>} : memref<1024xf32, #tpu.memory_space<vmem>>, vector<16xf32>,
    %get3A_479 = arith.constant 320 : index
    %get3A_480 = tpu.vector_load %arg6[%get3A_479] {strides = array<i32>} : memref<1024xi32, #tpu.memory_space<vmem>>, vector<16xi32>,
    %add3A_481 = arith.addi %mul3A_3, %get3A_480 : vector<16xi32>
    %gather3A_482 = tpu.vector_load_idx %arg9[%add3A_481] : memref<256xf32, #tpu.memory_space<vmem>>[vector<16xi32>], vector<16xf32>,
    %swap3A_483 = arith.constant 320 : index
    %swap3A_484 = tpu.vector_load %arg10[%swap3A_483] {strides = array<i32>} : memref<1024xf32, #tpu.memory_space<vmem>>, vector<16xf32>,
    tpu.vector_store %arg10[%swap3A_483], %gather3A_482 {strides = array<i32>} : memref<1024xf32, #tpu.memory_space<vmem>>, vector<16xf32>,
    %get3A_485 = arith.constant 336 : index
    %get3A_486 = tpu.vector_load %arg6[%get3A_485] {strides = array<i32>} : memref<1024xi32, #tpu.memory_space<vmem>>, vector<16xi32>,
    %add3A_487 = arith.addi %mul3A_3, %get3A_486 : vector<16xi32>
    %gather3A_488 = tpu.vector_load_idx %arg9[%add3A_487] : memref<256xf32, #tpu.memory_space<vmem>>[vector<16xi32>], vector<16xf32>,
    %swap3A_489 = arith.constant 336 : index
    %swap3A_490 = tpu.vector_load %arg10[%swap3A_489] {strides = array<i32>} : memref<1024xf32, #tpu.memory_space<vmem>>, vector<16xf32>,
    tpu.vector_store %arg10[%swap3A_489], %gather3A_488 {strides = array<i32>} : memref<1024xf32, #tpu.memory_space<vmem>>, vector<16xf32>,
    %get3A_491 = arith.constant 352 : index
    %get3A_492 = tpu.vector_load %arg6[%get3A_491] {strides = array<i32>} : memref<1024xi32, #tpu.memory_space<vmem>>, vector<16xi32>,
    %add3A_493 = arith.addi %mul3A_3, %get3A_492 : vector<16xi32>
    %gather3A_494 = tpu.vector_load_idx %arg9[%add3A_493] : memref<256xf32, #tpu.memory_space<vmem>>[vector<16xi32>], vector<16xf32>,
    %swap3A_495 = arith.constant 352 : index
    %swap3A_496 = tpu.vector_load %arg10[%swap3A_495] {strides = array<i32>} : memref<1024xf32, #tpu.memory_space<vmem>>, vector<16xf32>,
    tpu.vector_store %arg10[%swap3A_495], %gather3A_494 {strides = array<i32>} : memref<1024xf32, #tpu.memory_space<vmem>>, vector<16xf32>,
    %get3A_497 = arith.constant 368 : index
    %get3A_498 = tpu.vector_load %arg6[%get3A_497] {strides = array<i32>} : memref<1024xi32, #tpu.memory_space<vmem>>, vector<16xi32>,
    %add3A_499 = arith.addi %mul3A_3, %get3A_498 : vector<16xi32>
    %gather3A_500 = tpu.vector_load_idx %arg9[%add3A_499] : memref<256xf32, #tpu.memory_space<vmem>>[vector<16xi32>], vector<16xf32>,
    %swap3A_501 = arith.constant 368 : index
    %swap3A_502 = tpu.vector_load %arg10[%swap3A_501] {strides = array<i32>} : memref<1024xf32, #tpu.memory_space<vmem>>, vector<16xf32>,
    tpu.vector_store %arg10[%swap3A_501], %gather3A_500 {strides = array<i32>} : memref<1024xf32, #tpu.memory_space<vmem>>, vector<16xf32>,
    %get3A_503 = arith.constant 384 : index
    %get3A_504 = tpu.vector_load %arg6[%get3A_503] {strides = array<i32>} : memref<1024xi32, #tpu.memory_space<vmem>>, vector<16xi32>,
    %add3A_505 = arith.addi %mul3A_3, %get3A_504 : vector<16xi32>
    %gather3A_506 = tpu.vector_load_idx %arg9[%add3A_505] : memref<256xf32, #tpu.memory_space<vmem>>[vector<16xi32>], vector<16xf32>,
    %swap3A_507 = arith.constant 384 : index
    %swap3A_508 = tpu.vector_load %arg10[%swap3A_507] {strides = array<i32>} : memref<1024xf32, #tpu.memory_space<vmem>>, vector<16xf32>,
    tpu.vector_store %arg10[%swap3A_507], %gather3A_506 {strides = array<i32>} : memref<1024xf32, #tpu.memory_space<vmem>>, vector<16xf32>,
    %get3A_509 = arith.constant 400 : index
    %get3A_510 = tpu.vector_load %arg6[%get3A_509] {strides = array<i32>} : memref<1024xi32, #tpu.memory_space<vmem>>, vector<16xi32>,
    %add3A_511 = arith.addi %mul3A_3, %get3A_510 : vector<16xi32>
    %gather3A_512 = tpu.vector_load_idx %arg9[%add3A_511] : memref<256xf32, #tpu.memory_space<vmem>>[vector<16xi32>], vector<16xf32>,
    %swap3A_513 = arith.constant 400 : index
    %swap3A_514 = tpu.vector_load %arg10[%swap3A_513] {strides = array<i32>} : memref<1024xf32, #tpu.memory_space<vmem>>, vector<16xf32>,
    tpu.vector_store %arg10[%swap3A_513], %gather3A_512 {strides = array<i32>} : memref<1024xf32, #tpu.memory_space<vmem>>, vector<16xf32>,
    %get3A_515 = arith.constant 416 : index
    %get3A_516 = tpu.vector_load %arg6[%get3A_515] {strides = array<i32>} : memref<1024xi32, #tpu.memory_space<vmem>>, vector<16xi32>,
    %add3A_517 = arith.addi %mul3A_3, %get3A_516 : vector<16xi32>
    %gather3A_518 = tpu.vector_load_idx %arg9[%add3A_517] : memref<256xf32, #tpu.memory_space<vmem>>[vector<16xi32>], vector<16xf32>,
    %swap3A_519 = arith.constant 416 : index
    %swap3A_520 = tpu.vector_load %arg10[%swap3A_519] {strides = array<i32>} : memref<1024xf32, #tpu.memory_space<vmem>>, vector<16xf32>,
    tpu.vector_store %arg10[%swap3A_519], %gather3A_518 {strides = array<i32>} : memref<1024xf32, #tpu.memory_space<vmem>>, vector<16xf32>,
    %get3A_521 = arith.constant 432 : index
    %get3A_522 = tpu.vector_load %arg6[%get3A_521] {strides = array<i32>} : memref<1024xi32, #tpu.memory_space<vmem>>, vector<16xi32>,
    %add3A_523 = arith.addi %mul3A_3, %get3A_522 : vector<16xi32>
    %gather3A_524 = tpu.vector_load_idx %arg9[%add3A_523] : memref<256xf32, #tpu.memory_space<vmem>>[vector<16xi32>], vector<16xf32>,
    %swap3A_525 = arith.constant 432 : index
    %swap3A_526 = tpu.vector_load %arg10[%swap3A_525] {strides = array<i32>} : memref<1024xf32, #tpu.memory_space<vmem>>, vector<16xf32>,
    tpu.vector_store %arg10[%swap3A_525], %gather3A_524 {strides = array<i32>} : memref<1024xf32, #tpu.memory_space<vmem>>, vector<16xf32>,
    %get3A_527 = arith.constant 448 : index
    %get3A_528 = tpu.vector_load %arg6[%get3A_527] {strides = array<i32>} : memref<1024xi32, #tpu.memory_space<vmem>>, vector<16xi32>,
    %add3A_529 = arith.addi %mul3A_3, %get3A_528 : vector<16xi32>
    %gather3A_530 = tpu.vector_load_idx %arg9[%add3A_529] : memref<256xf32, #tpu.memory_space<vmem>>[vector<16xi32>], vector<16xf32>,
    %swap3A_531 = arith.constant 448 : index
    %swap3A_532 = tpu.vector_load %arg10[%swap3A_531] {strides = array<i32>} : memref<1024xf32, #tpu.memory_space<vmem>>, vector<16xf32>,
    tpu.vector_store %arg10[%swap3A_531], %gather3A_530 {strides = array<i32>} : memref<1024xf32, #tpu.memory_space<vmem>>, vector<16xf32>,
    %get3A_533 = arith.constant 464 : index
    %get3A_534 = tpu.vector_load %arg6[%get3A_533] {strides = array<i32>} : memref<1024xi32, #tpu.memory_space<vmem>>, vector<16xi32>,
    %add3A_535 = arith.addi %mul3A_3, %get3A_534 : vector<16xi32>
    %gather3A_536 = tpu.vector_load_idx %arg9[%add3A_535] : memref<256xf32, #tpu.memory_space<vmem>>[vector<16xi32>], vector<16xf32>,
    %swap3A_537 = arith.constant 464 : index
    %swap3A_538 = tpu.vector_load %arg10[%swap3A_537] {strides = array<i32>} : memref<1024xf32, #tpu.memory_space<vmem>>, vector<16xf32>,
    tpu.vector_store %arg10[%swap3A_537], %gather3A_536 {strides = array<i32>} : memref<1024xf32, #tpu.memory_space<vmem>>, vector<16xf32>,
    %get3A_539 = arith.constant 480 : index
    %get3A_540 = tpu.vector_load %arg6[%get3A_539] {strides = array<i32>} : memref<1024xi32, #tpu.memory_space<vmem>>, vector<16xi32>,
    %add3A_541 = arith.addi %mul3A_3, %get3A_540 : vector<16xi32>
    %gather3A_542 = tpu.vector_load_idx %arg9[%add3A_541] : memref<256xf32, #tpu.memory_space<vmem>>[vector<16xi32>], vector<16xf32>,
    %swap3A_543 = arith.constant 480 : index
    %swap3A_544 = tpu.vector_load %arg10[%swap3A_543] {strides = array<i32>} : memref<1024xf32, #tpu.memory_space<vmem>>, vector<16xf32>,
    tpu.vector_store %arg10[%swap3A_543], %gather3A_542 {strides = array<i32>} : memref<1024xf32, #tpu.memory_space<vmem>>, vector<16xf32>,
    %get3A_545 = arith.constant 496 : index
    %get3A_546 = tpu.vector_load %arg6[%get3A_545] {strides = array<i32>} : memref<1024xi32, #tpu.memory_space<vmem>>, vector<16xi32>,
    %add3A_547 = arith.addi %mul3A_3, %get3A_546 : vector<16xi32>
    %gather3A_548 = tpu.vector_load_idx %arg9[%add3A_547] : memref<256xf32, #tpu.memory_space<vmem>>[vector<16xi32>], vector<16xf32>,
    %swap3A_549 = arith.constant 496 : index
    %swap3A_550 = tpu.vector_load %arg10[%swap3A_549] {strides = array<i32>} : memref<1024xf32, #tpu.memory_space<vmem>>, vector<16xf32>,
    tpu.vector_store %arg10[%swap3A_549], %gather3A_548 {strides = array<i32>} : memref<1024xf32, #tpu.memory_space<vmem>>, vector<16xf32>,
    %get3A_551 = arith.constant 512 : index
    %get3A_552 = tpu.vector_load %arg6[%get3A_551] {strides = array<i32>} : memref<1024xi32, #tpu.memory_space<vmem>>, vector<16xi32>,
    %add3A_553 = arith.addi %mul3A_3, %get3A_552 : vector<16xi32>
    %gather3A_554 = tpu.vector_load_idx %arg9[%add3A_553] : memref<256xf32, #tpu.memory_space<vmem>>[vector<16xi32>], vector<16xf32>,
    %swap3A_555 = arith.constant 512 : index
    %swap3A_556 = tpu.vector_load %arg10[%swap3A_555] {strides = array<i32>} : memref<1024xf32, #tpu.memory_space<vmem>>, vector<16xf32>,
    tpu.vector_store %arg10[%swap3A_555], %gather3A_554 {strides = array<i32>} : memref<1024xf32, #tpu.memory_space<vmem>>, vector<16xf32>,
    %get3A_557 = arith.constant 528 : index
    %get3A_558 = tpu.vector_load %arg6[%get3A_557] {strides = array<i32>} : memref<1024xi32, #tpu.memory_space<vmem>>, vector<16xi32>,
    %add3A_559 = arith.addi %mul3A_3, %get3A_558 : vector<16xi32>
    %gather3A_560 = tpu.vector_load_idx %arg9[%add3A_559] : memref<256xf32, #tpu.memory_space<vmem>>[vector<16xi32>], vector<16xf32>,
    %swap3A_561 = arith.constant 528 : index
    %swap3A_562 = tpu.vector_load %arg10[%swap3A_561] {strides = array<i32>} : memref<1024xf32, #tpu.memory_space<vmem>>, vector<16xf32>,
    tpu.vector_store %arg10[%swap3A_561], %gather3A_560 {strides = array<i32>} : memref<1024xf32, #tpu.memory_space<vmem>>, vector<16xf32>,
    %get3A_563 = arith.constant 544 : index
    %get3A_564 = tpu.vector_load %arg6[%get3A_563] {strides = array<i32>} : memref<1024xi32, #tpu.memory_space<vmem>>, vector<16xi32>,
    %add3A_565 = arith.addi %mul3A_3, %get3A_564 : vector<16xi32>
    %gather3A_566 = tpu.vector_load_idx %arg9[%add3A_565] : memref<256xf32, #tpu.memory_space<vmem>>[vector<16xi32>], vector<16xf32>,
    %swap3A_567 = arith.constant 544 : index
    %swap3A_568 = tpu.vector_load %arg10[%swap3A_567] {strides = array<i32>} : memref<1024xf32, #tpu.memory_space<vmem>>, vector<16xf32>,
    tpu.vector_store %arg10[%swap3A_567], %gather3A_566 {strides = array<i32>} : memref<1024xf32, #tpu.memory_space<vmem>>, vector<16xf32>,
    %get3A_569 = arith.constant 560 : index
    %get3A_570 = tpu.vector_load %arg6[%get3A_569] {strides = array<i32>} : memref<1024xi32, #tpu.memory_space<vmem>>, vector<16xi32>,
    %add3A_571 = arith.addi %mul3A_3, %get3A_570 : vector<16xi32>
    %gather3A_572 = tpu.vector_load_idx %arg9[%add3A_571] : memref<256xf32, #tpu.memory_space<vmem>>[vector<16xi32>], vector<16xf32>,
    %swap3A_573 = arith.constant 560 : index
    %swap3A_574 = tpu.vector_load %arg10[%swap3A_573] {strides = array<i32>} : memref<1024xf32, #tpu.memory_space<vmem>>, vector<16xf32>,
    tpu.vector_store %arg10[%swap3A_573], %gather3A_572 {strides = array<i32>} : memref<1024xf32, #tpu.memory_space<vmem>>, vector<16xf32>,
    %get3A_575 = arith.constant 576 : index
    %get3A_576 = tpu.vector_load %arg6[%get3A_575] {strides = array<i32>} : memref<1024xi32, #tpu.memory_space<vmem>>, vector<16xi32>,
    %add3A_577 = arith.addi %mul3A_3, %get3A_576 : vector<16xi32>
    %gather3A_578 = tpu.vector_load_idx %arg9[%add3A_577] : memref<256xf32, #tpu.memory_space<vmem>>[vector<16xi32>], vector<16xf32>,
    %swap3A_579 = arith.constant 576 : index
    %swap3A_580 = tpu.vector_load %arg10[%swap3A_579] {strides = array<i32>} : memref<1024xf32, #tpu.memory_space<vmem>>, vector<16xf32>,
    tpu.vector_store %arg10[%swap3A_579], %gather3A_578 {strides = array<i32>} : memref<1024xf32, #tpu.memory_space<vmem>>, vector<16xf32>,
    %get3A_581 = arith.constant 592 : index
    %get3A_582 = tpu.vector_load %arg6[%get3A_581] {strides = array<i32>} : memref<1024xi32, #tpu.memory_space<vmem>>, vector<16xi32>,
    %add3A_583 = arith.addi %mul3A_3, %get3A_582 : vector<16xi32>
    %gather3A_584 = tpu.vector_load_idx %arg9[%add3A_583] : memref<256xf32, #tpu.memory_space<vmem>>[vector<16xi32>], vector<16xf32>,
    %swap3A_585 = arith.constant 592 : index
    %swap3A_586 = tpu.vector_load %arg10[%swap3A_585] {strides = array<i32>} : memref<1024xf32, #tpu.memory_space<vmem>>, vector<16xf32>,
    tpu.vector_store %arg10[%swap3A_585], %gather3A_584 {strides = array<i32>} : memref<1024xf32, #tpu.memory_space<vmem>>, vector<16xf32>,
    %get3A_587 = arith.constant 608 : index
    %get3A_588 = tpu.vector_load %arg6[%get3A_587] {strides = array<i32>} : memref<1024xi32, #tpu.memory_space<vmem>>, vector<16xi32>,
    %add3A_589 = arith.addi %mul3A_3, %get3A_588 : vector<16xi32>
    %gather3A_590 = tpu.vector_load_idx %arg9[%add3A_589] : memref<256xf32, #tpu.memory_space<vmem>>[vector<16xi32>], vector<16xf32>,
    %swap3A_591 = arith.constant 608 : index
    %swap3A_592 = tpu.vector_load %arg10[%swap3A_591] {strides = array<i32>} : memref<1024xf32, #tpu.memory_space<vmem>>, vector<16xf32>,
    tpu.vector_store %arg10[%swap3A_591], %gather3A_590 {strides = array<i32>} : memref<1024xf32, #tpu.memory_space<vmem>>, vector<16xf32>,
    %get3A_593 = arith.constant 624 : index
    %get3A_594 = tpu.vector_load %arg6[%get3A_593] {strides = array<i32>} : memref<1024xi32, #tpu.memory_space<vmem>>, vector<16xi32>,
    %add3A_595 = arith.addi %mul3A_3, %get3A_594 : vector<16xi32>
    %gather3A_596 = tpu.vector_load_idx %arg9[%add3A_595] : memref<256xf32, #tpu.memory_space<vmem>>[vector<16xi32>], vector<16xf32>,
    %swap3A_597 = arith.constant 624 : index
    %swap3A_598 = tpu.vector_load %arg10[%swap3A_597] {strides = array<i32>} : memref<1024xf32, #tpu.memory_space<vmem>>, vector<16xf32>,
    tpu.vector_store %arg10[%swap3A_597], %gather3A_596 {strides = array<i32>} : memref<1024xf32, #tpu.memory_space<vmem>>, vector<16xf32>,
    %get3A_599 = arith.constant 640 : index
    %get3A_600 = tpu.vector_load %arg6[%get3A_599] {strides = array<i32>} : memref<1024xi32, #tpu.memory_space<vmem>>, vector<16xi32>,
    %add3A_601 = arith.addi %mul3A_3, %get3A_600 : vector<16xi32>
    %gather3A_602 = tpu.vector_load_idx %arg9[%add3A_601] : memref<256xf32, #tpu.memory_space<vmem>>[vector<16xi32>], vector<16xf32>,
    %swap3A_603 = arith.constant 640 : index
    %swap3A_604 = tpu.vector_load %arg10[%swap3A_603] {strides = array<i32>} : memref<1024xf32, #tpu.memory_space<vmem>>, vector<16xf32>,
    tpu.vector_store %arg10[%swap3A_603], %gather3A_602 {strides = array<i32>} : memref<1024xf32, #tpu.memory_space<vmem>>, vector<16xf32>,
    %get3A_605 = arith.constant 656 : index
    %get3A_606 = tpu.vector_load %arg6[%get3A_605] {strides = array<i32>} : memref<1024xi32, #tpu.memory_space<vmem>>, vector<16xi32>,
    %add3A_607 = arith.addi %mul3A_3, %get3A_606 : vector<16xi32>
    %gather3A_608 = tpu.vector_load_idx %arg9[%add3A_607] : memref<256xf32, #tpu.memory_space<vmem>>[vector<16xi32>], vector<16xf32>,
    %swap3A_609 = arith.constant 656 : index
    %swap3A_610 = tpu.vector_load %arg10[%swap3A_609] {strides = array<i32>} : memref<1024xf32, #tpu.memory_space<vmem>>, vector<16xf32>,
    tpu.vector_store %arg10[%swap3A_609], %gather3A_608 {strides = array<i32>} : memref<1024xf32, #tpu.memory_space<vmem>>, vector<16xf32>,
    %get3A_611 = arith.constant 672 : index
    %get3A_612 = tpu.vector_load %arg6[%get3A_611] {strides = array<i32>} : memref<1024xi32, #tpu.memory_space<vmem>>, vector<16xi32>,
    %add3A_613 = arith.addi %mul3A_3, %get3A_612 : vector<16xi32>
    %gather3A_614 = tpu.vector_load_idx %arg9[%add3A_613] : memref<256xf32, #tpu.memory_space<vmem>>[vector<16xi32>], vector<16xf32>,
    %swap3A_615 = arith.constant 672 : index
    %swap3A_616 = tpu.vector_load %arg10[%swap3A_615] {strides = array<i32>} : memref<1024xf32, #tpu.memory_space<vmem>>, vector<16xf32>,
    tpu.vector_store %arg10[%swap3A_615], %gather3A_614 {strides = array<i32>} : memref<1024xf32, #tpu.memory_space<vmem>>, vector<16xf32>,
    %get3A_617 = arith.constant 688 : index
    %get3A_618 = tpu.vector_load %arg6[%get3A_617] {strides = array<i32>} : memref<1024xi32, #tpu.memory_space<vmem>>, vector<16xi32>,
    %add3A_619 = arith.addi %mul3A_3, %get3A_618 : vector<16xi32>
    %gather3A_620 = tpu.vector_load_idx %arg9[%add3A_619] : memref<256xf32, #tpu.memory_space<vmem>>[vector<16xi32>], vector<16xf32>,
    %swap3A_621 = arith.constant 688 : index
    %swap3A_622 = tpu.vector_load %arg10[%swap3A_621] {strides = array<i32>} : memref<1024xf32, #tpu.memory_space<vmem>>, vector<16xf32>,
    tpu.vector_store %arg10[%swap3A_621], %gather3A_620 {strides = array<i32>} : memref<1024xf32, #tpu.memory_space<vmem>>, vector<16xf32>,
    %get3A_623 = arith.constant 704 : index
    %get3A_624 = tpu.vector_load %arg6[%get3A_623] {strides = array<i32>} : memref<1024xi32, #tpu.memory_space<vmem>>, vector<16xi32>,
    %add3A_625 = arith.addi %mul3A_3, %get3A_624 : vector<16xi32>
    %gather3A_626 = tpu.vector_load_idx %arg9[%add3A_625] : memref<256xf32, #tpu.memory_space<vmem>>[vector<16xi32>], vector<16xf32>,
    %swap3A_627 = arith.constant 704 : index
    %swap3A_628 = tpu.vector_load %arg10[%swap3A_627] {strides = array<i32>} : memref<1024xf32, #tpu.memory_space<vmem>>, vector<16xf32>,
    tpu.vector_store %arg10[%swap3A_627], %gather3A_626 {strides = array<i32>} : memref<1024xf32, #tpu.memory_space<vmem>>, vector<16xf32>,
    %get3A_629 = arith.constant 720 : index
    %get3A_630 = tpu.vector_load %arg6[%get3A_629] {strides = array<i32>} : memref<1024xi32, #tpu.memory_space<vmem>>, vector<16xi32>,
    %add3A_631 = arith.addi %mul3A_3, %get3A_630 : vector<16xi32>
    %gather3A_632 = tpu.vector_load_idx %arg9[%add3A_631] : memref<256xf32, #tpu.memory_space<vmem>>[vector<16xi32>], vector<16xf32>,
    %swap3A_633 = arith.constant 720 : index
    %swap3A_634 = tpu.vector_load %arg10[%swap3A_633] {strides = array<i32>} : memref<1024xf32, #tpu.memory_space<vmem>>, vector<16xf32>,
    tpu.vector_store %arg10[%swap3A_633], %gather3A_632 {strides = array<i32>} : memref<1024xf32, #tpu.memory_space<vmem>>, vector<16xf32>,
    %get3A_635 = arith.constant 736 : index
    %get3A_636 = tpu.vector_load %arg6[%get3A_635] {strides = array<i32>} : memref<1024xi32, #tpu.memory_space<vmem>>, vector<16xi32>,
    %add3A_637 = arith.addi %mul3A_3, %get3A_636 : vector<16xi32>
    %gather3A_638 = tpu.vector_load_idx %arg9[%add3A_637] : memref<256xf32, #tpu.memory_space<vmem>>[vector<16xi32>], vector<16xf32>,
    %swap3A_639 = arith.constant 736 : index
    %swap3A_640 = tpu.vector_load %arg10[%swap3A_639] {strides = array<i32>} : memref<1024xf32, #tpu.memory_space<vmem>>, vector<16xf32>,
    tpu.vector_store %arg10[%swap3A_639], %gather3A_638 {strides = array<i32>} : memref<1024xf32, #tpu.memory_space<vmem>>, vector<16xf32>,
    %get3A_641 = arith.constant 752 : index
    %get3A_642 = tpu.vector_load %arg6[%get3A_641] {strides = array<i32>} : memref<1024xi32, #tpu.memory_space<vmem>>, vector<16xi32>,
    %add3A_643 = arith.addi %mul3A_3, %get3A_642 : vector<16xi32>
    %gather3A_644 = tpu.vector_load_idx %arg9[%add3A_643] : memref<256xf32, #tpu.memory_space<vmem>>[vector<16xi32>], vector<16xf32>,
    %swap3A_645 = arith.constant 752 : index
    %swap3A_646 = tpu.vector_load %arg10[%swap3A_645] {strides = array<i32>} : memref<1024xf32, #tpu.memory_space<vmem>>, vector<16xf32>,
    tpu.vector_store %arg10[%swap3A_645], %gather3A_644 {strides = array<i32>} : memref<1024xf32, #tpu.memory_space<vmem>>, vector<16xf32>,
    %get3A_647 = arith.constant 768 : index
    %get3A_648 = tpu.vector_load %arg6[%get3A_647] {strides = array<i32>} : memref<1024xi32, #tpu.memory_space<vmem>>, vector<16xi32>,
    %add3A_649 = arith.addi %mul3A_3, %get3A_648 : vector<16xi32>
    %gather3A_650 = tpu.vector_load_idx %arg9[%add3A_649] : memref<256xf32, #tpu.memory_space<vmem>>[vector<16xi32>], vector<16xf32>,
    %swap3A_651 = arith.constant 768 : index
    %swap3A_652 = tpu.vector_load %arg10[%swap3A_651] {strides = array<i32>} : memref<1024xf32, #tpu.memory_space<vmem>>, vector<16xf32>,
    tpu.vector_store %arg10[%swap3A_651], %gather3A_650 {strides = array<i32>} : memref<1024xf32, #tpu.memory_space<vmem>>, vector<16xf32>,
    %get3A_653 = arith.constant 784 : index
    %get3A_654 = tpu.vector_load %arg6[%get3A_653] {strides = array<i32>} : memref<1024xi32, #tpu.memory_space<vmem>>, vector<16xi32>,
    %add3A_655 = arith.addi %mul3A_3, %get3A_654 : vector<16xi32>
    %gather3A_656 = tpu.vector_load_idx %arg9[%add3A_655] : memref<256xf32, #tpu.memory_space<vmem>>[vector<16xi32>], vector<16xf32>,
    %swap3A_657 = arith.constant 784 : index
    %swap3A_658 = tpu.vector_load %arg10[%swap3A_657] {strides = array<i32>} : memref<1024xf32, #tpu.memory_space<vmem>>, vector<16xf32>,
    tpu.vector_store %arg10[%swap3A_657], %gather3A_656 {strides = array<i32>} : memref<1024xf32, #tpu.memory_space<vmem>>, vector<16xf32>,
    %get3A_659 = arith.constant 800 : index
    %get3A_660 = tpu.vector_load %arg6[%get3A_659] {strides = array<i32>} : memref<1024xi32, #tpu.memory_space<vmem>>, vector<16xi32>,
    %add3A_661 = arith.addi %mul3A_3, %get3A_660 : vector<16xi32>
    %gather3A_662 = tpu.vector_load_idx %arg9[%add3A_661] : memref<256xf32, #tpu.memory_space<vmem>>[vector<16xi32>], vector<16xf32>,
    %swap3A_663 = arith.constant 800 : index
    %swap3A_664 = tpu.vector_load %arg10[%swap3A_663] {strides = array<i32>} : memref<1024xf32, #tpu.memory_space<vmem>>, vector<16xf32>,
    tpu.vector_store %arg10[%swap3A_663], %gather3A_662 {strides = array<i32>} : memref<1024xf32, #tpu.memory_space<vmem>>, vector<16xf32>,
    %get3A_665 = arith.constant 816 : index
    %get3A_666 = tpu.vector_load %arg6[%get3A_665] {strides = array<i32>} : memref<1024xi32, #tpu.memory_space<vmem>>, vector<16xi32>,
    %add3A_667 = arith.addi %mul3A_3, %get3A_666 : vector<16xi32>
    %gather3A_668 = tpu.vector_load_idx %arg9[%add3A_667] : memref<256xf32, #tpu.memory_space<vmem>>[vector<16xi32>], vector<16xf32>,
    %swap3A_669 = arith.constant 816 : index
    %swap3A_670 = tpu.vector_load %arg10[%swap3A_669] {strides = array<i32>} : memref<1024xf32, #tpu.memory_space<vmem>>, vector<16xf32>,
    tpu.vector_store %arg10[%swap3A_669], %gather3A_668 {strides = array<i32>} : memref<1024xf32, #tpu.memory_space<vmem>>, vector<16xf32>,
    %get3A_671 = arith.constant 832 : index
    %get3A_672 = tpu.vector_load %arg6[%get3A_671] {strides = array<i32>} : memref<1024xi32, #tpu.memory_space<vmem>>, vector<16xi32>,
    %add3A_673 = arith.addi %mul3A_3, %get3A_672 : vector<16xi32>
    %gather3A_674 = tpu.vector_load_idx %arg9[%add3A_673] : memref<256xf32, #tpu.memory_space<vmem>>[vector<16xi32>], vector<16xf32>,
    %swap3A_675 = arith.constant 832 : index
    %swap3A_676 = tpu.vector_load %arg10[%swap3A_675] {strides = array<i32>} : memref<1024xf32, #tpu.memory_space<vmem>>, vector<16xf32>,
    tpu.vector_store %arg10[%swap3A_675], %gather3A_674 {strides = array<i32>} : memref<1024xf32, #tpu.memory_space<vmem>>, vector<16xf32>,
    %get3A_677 = arith.constant 848 : index
    %get3A_678 = tpu.vector_load %arg6[%get3A_677] {strides = array<i32>} : memref<1024xi32, #tpu.memory_space<vmem>>, vector<16xi32>,
    %add3A_679 = arith.addi %mul3A_3, %get3A_678 : vector<16xi32>
    %gather3A_680 = tpu.vector_load_idx %arg9[%add3A_679] : memref<256xf32, #tpu.memory_space<vmem>>[vector<16xi32>], vector<16xf32>,
    %swap3A_681 = arith.constant 848 : index
    %swap3A_682 = tpu.vector_load %arg10[%swap3A_681] {strides = array<i32>} : memref<1024xf32, #tpu.memory_space<vmem>>, vector<16xf32>,
    tpu.vector_store %arg10[%swap3A_681], %gather3A_680 {strides = array<i32>} : memref<1024xf32, #tpu.memory_space<vmem>>, vector<16xf32>,
    %get3A_683 = arith.constant 864 : index
    %get3A_684 = tpu.vector_load %arg6[%get3A_683] {strides = array<i32>} : memref<1024xi32, #tpu.memory_space<vmem>>, vector<16xi32>,
    %add3A_685 = arith.addi %mul3A_3, %get3A_684 : vector<16xi32>
    %gather3A_686 = tpu.vector_load_idx %arg9[%add3A_685] : memref<256xf32, #tpu.memory_space<vmem>>[vector<16xi32>], vector<16xf32>,
    %swap3A_687 = arith.constant 864 : index
    %swap3A_688 = tpu.vector_load %arg10[%swap3A_687] {strides = array<i32>} : memref<1024xf32, #tpu.memory_space<vmem>>, vector<16xf32>,
    tpu.vector_store %arg10[%swap3A_687], %gather3A_686 {strides = array<i32>} : memref<1024xf32, #tpu.memory_space<vmem>>, vector<16xf32>,
    %get3A_689 = arith.constant 880 : index
    %get3A_690 = tpu.vector_load %arg6[%get3A_689] {strides = array<i32>} : memref<1024xi32, #tpu.memory_space<vmem>>, vector<16xi32>,
    %add3A_691 = arith.addi %mul3A_3, %get3A_690 : vector<16xi32>
    %gather3A_692 = tpu.vector_load_idx %arg9[%add3A_691] : memref<256xf32, #tpu.memory_space<vmem>>[vector<16xi32>], vector<16xf32>,
    %swap3A_693 = arith.constant 880 : index
    %swap3A_694 = tpu.vector_load %arg10[%swap3A_693] {strides = array<i32>} : memref<1024xf32, #tpu.memory_space<vmem>>, vector<16xf32>,
    tpu.vector_store %arg10[%swap3A_693], %gather3A_692 {strides = array<i32>} : memref<1024xf32, #tpu.memory_space<vmem>>, vector<16xf32>,
    %get3A_695 = arith.constant 896 : index
    %get3A_696 = tpu.vector_load %arg6[%get3A_695] {strides = array<i32>} : memref<1024xi32, #tpu.memory_space<vmem>>, vector<16xi32>,
    %add3A_697 = arith.addi %mul3A_3, %get3A_696 : vector<16xi32>
    %gather3A_698 = tpu.vector_load_idx %arg9[%add3A_697] : memref<256xf32, #tpu.memory_space<vmem>>[vector<16xi32>], vector<16xf32>,
    %swap3A_699 = arith.constant 896 : index
    %swap3A_700 = tpu.vector_load %arg10[%swap3A_699] {strides = array<i32>} : memref<1024xf32, #tpu.memory_space<vmem>>, vector<16xf32>,
    tpu.vector_store %arg10[%swap3A_699], %gather3A_698 {strides = array<i32>} : memref<1024xf32, #tpu.memory_space<vmem>>, vector<16xf32>,
    %get3A_701 = arith.constant 912 : index
    %get3A_702 = tpu.vector_load %arg6[%get3A_701] {strides = array<i32>} : memref<1024xi32, #tpu.memory_space<vmem>>, vector<16xi32>,
    %add3A_703 = arith.addi %mul3A_3, %get3A_702 : vector<16xi32>
    %gather3A_704 = tpu.vector_load_idx %arg9[%add3A_703] : memref<256xf32, #tpu.memory_space<vmem>>[vector<16xi32>], vector<16xf32>,
    %swap3A_705 = arith.constant 912 : index
    %swap3A_706 = tpu.vector_load %arg10[%swap3A_705] {strides = array<i32>} : memref<1024xf32, #tpu.memory_space<vmem>>, vector<16xf32>,
    tpu.vector_store %arg10[%swap3A_705], %gather3A_704 {strides = array<i32>} : memref<1024xf32, #tpu.memory_space<vmem>>, vector<16xf32>,
    %get3A_707 = arith.constant 928 : index
    %get3A_708 = tpu.vector_load %arg6[%get3A_707] {strides = array<i32>} : memref<1024xi32, #tpu.memory_space<vmem>>, vector<16xi32>,
    %add3A_709 = arith.addi %mul3A_3, %get3A_708 : vector<16xi32>
    %gather3A_710 = tpu.vector_load_idx %arg9[%add3A_709] : memref<256xf32, #tpu.memory_space<vmem>>[vector<16xi32>], vector<16xf32>,
    %swap3A_711 = arith.constant 928 : index
    %swap3A_712 = tpu.vector_load %arg10[%swap3A_711] {strides = array<i32>} : memref<1024xf32, #tpu.memory_space<vmem>>, vector<16xf32>,
    tpu.vector_store %arg10[%swap3A_711], %gather3A_710 {strides = array<i32>} : memref<1024xf32, #tpu.memory_space<vmem>>, vector<16xf32>,
    %get3A_713 = arith.constant 944 : index
    %get3A_714 = tpu.vector_load %arg6[%get3A_713] {strides = array<i32>} : memref<1024xi32, #tpu.memory_space<vmem>>, vector<16xi32>,
    %add3A_715 = arith.addi %mul3A_3, %get3A_714 : vector<16xi32>
    %gather3A_716 = tpu.vector_load_idx %arg9[%add3A_715] : memref<256xf32, #tpu.memory_space<vmem>>[vector<16xi32>], vector<16xf32>,
    %swap3A_717 = arith.constant 944 : index
    %swap3A_718 = tpu.vector_load %arg10[%swap3A_717] {strides = array<i32>} : memref<1024xf32, #tpu.memory_space<vmem>>, vector<16xf32>,
    tpu.vector_store %arg10[%swap3A_717], %gather3A_716 {strides = array<i32>} : memref<1024xf32, #tpu.memory_space<vmem>>, vector<16xf32>,
    %get3A_719 = arith.constant 960 : index
    %get3A_720 = tpu.vector_load %arg6[%get3A_719] {strides = array<i32>} : memref<1024xi32, #tpu.memory_space<vmem>>, vector<16xi32>,
    %add3A_721 = arith.addi %mul3A_3, %get3A_720 : vector<16xi32>
    %gather3A_722 = tpu.vector_load_idx %arg9[%add3A_721] : memref<256xf32, #tpu.memory_space<vmem>>[vector<16xi32>], vector<16xf32>,
    %swap3A_723 = arith.constant 960 : index
    %swap3A_724 = tpu.vector_load %arg10[%swap3A_723] {strides = array<i32>} : memref<1024xf32, #tpu.memory_space<vmem>>, vector<16xf32>,
    tpu.vector_store %arg10[%swap3A_723], %gather3A_722 {strides = array<i32>} : memref<1024xf32, #tpu.memory_space<vmem>>, vector<16xf32>,
    %get3A_725 = arith.constant 976 : index
    %get3A_726 = tpu.vector_load %arg6[%get3A_725] {strides = array<i32>} : memref<1024xi32, #tpu.memory_space<vmem>>, vector<16xi32>,
    %add3A_727 = arith.addi %mul3A_3, %get3A_726 : vector<16xi32>
    %gather3A_728 = tpu.vector_load_idx %arg9[%add3A_727] : memref<256xf32, #tpu.memory_space<vmem>>[vector<16xi32>], vector<16xf32>,
    %swap3A_729 = arith.constant 976 : index
    %swap3A_730 = tpu.vector_load %arg10[%swap3A_729] {strides = array<i32>} : memref<1024xf32, #tpu.memory_space<vmem>>, vector<16xf32>,
    tpu.vector_store %arg10[%swap3A_729], %gather3A_728 {strides = array<i32>} : memref<1024xf32, #tpu.memory_space<vmem>>, vector<16xf32>,
    %get3A_731 = arith.constant 992 : index
    %get3A_732 = tpu.vector_load %arg6[%get3A_731] {strides = array<i32>} : memref<1024xi32, #tpu.memory_space<vmem>>, vector<16xi32>,
    %add3A_733 = arith.addi %mul3A_3, %get3A_732 : vector<16xi32>
    %gather3A_734 = tpu.vector_load_idx %arg9[%add3A_733] : memref<256xf32, #tpu.memory_space<vmem>>[vector<16xi32>], vector<16xf32>,
    %swap3A_735 = arith.constant 992 : index
    %swap3A_736 = tpu.vector_load %arg10[%swap3A_735] {strides = array<i32>} : memref<1024xf32, #tpu.memory_space<vmem>>, vector<16xf32>,
    tpu.vector_store %arg10[%swap3A_735], %gather3A_734 {strides = array<i32>} : memref<1024xf32, #tpu.memory_space<vmem>>, vector<16xf32>,
    %get3A_737 = arith.constant 1008 : index
    %get3A_738 = tpu.vector_load %arg6[%get3A_737] {strides = array<i32>} : memref<1024xi32, #tpu.memory_space<vmem>>, vector<16xi32>,
    %add3A_739 = arith.addi %mul3A_3, %get3A_738 : vector<16xi32>
    %gather3A_740 = tpu.vector_load_idx %arg9[%add3A_739] : memref<256xf32, #tpu.memory_space<vmem>>[vector<16xi32>], vector<16xf32>,
    %swap3A_741 = arith.constant 1008 : index
    %swap3A_742 = tpu.vector_load %arg10[%swap3A_741] {strides = array<i32>} : memref<1024xf32, #tpu.memory_space<vmem>>, vector<16xf32>,
    tpu.vector_store %arg10[%swap3A_741], %gather3A_740 {strides = array<i32>} : memref<1024xf32, #tpu.memory_space<vmem>>, vector<16xf32>,
    "tpu.region"() ({
      %run_scoped3A = tpu.sem_alloc : memref<!tpu.dma_semaphore, #tpu.memory_space<semaphore_mem>>
      %dma_start3A = tpu.memref_slice %arg3[%mul3A_0] : memref<16384xf32, #tpu.memory_space<hbm>> -> memref<1024xf32, #tpu.memory_space<hbm>>
      %dma_start3A_746 = tpu.memref_slice %arg3[%mul3A_0] : memref<16384xf32, #tpu.memory_space<hbm>> -> memref<1024xf32, #tpu.memory_space<hbm>>
      tpu.enqueue_dma source(%arg10 : memref<1024xf32, #tpu.memory_space<vmem>>) target(%dma_start3A_746 : memref<1024xf32, #tpu.memory_space<hbm>>) target_semaphore(%run_scoped3A : memref<!tpu.dma_semaphore, #tpu.memory_space<semaphore_mem>>)
      %dma_wait3A = tpu.memref_slice %arg3[%mul3A_0] : memref<16384xf32, #tpu.memory_space<hbm>> -> memref<1024xf32, #tpu.memory_space<hbm>>
      %dma_wait3A_747 = tpu.memref_slice %arg3[%mul3A_0] : memref<16384xf32, #tpu.memory_space<hbm>> -> memref<1024xf32, #tpu.memory_space<hbm>>
      tpu.wait_dma2 semaphore(%run_scoped3A : memref<!tpu.dma_semaphore, #tpu.memory_space<semaphore_mem>>) src(%arg10 : memref<1024xf32, #tpu.memory_space<vmem>>) dst(%dma_wait3A_747 : memref<1024xf32, #tpu.memory_space<hbm>>)
      tpu.yield
    }) : () -> ()
    %eq3A = arith.constant 0 : i32
    %eq3A_743 = arith.cmpi eq, %arg1, %eq3A : i32
    %convert_element_type3A_744 = arith.extui %eq3A_743 : i1 to i32
    %cond3A = arith.constant 0 : i32
    %cond3A_745 = arith.cmpi ne, %convert_element_type3A_744, %cond3A : i32
    scf.if %cond3A_745 {
      %broadcast_in_dim3A_746 = arith.constant true
      %broadcast_in_dim3A_747 = vector.broadcast %broadcast_in_dim3A_746 : i1 to vector<16xi1>
      %masked_cumsum3A = tpu.scan <sum>, %add3A_325 masked %broadcast_in_dim3A_747 : vector<16xi32>, vector<16xi1> -> vector<16xi32>
      %sub3A = arith.subi %masked_cumsum3A, %add3A_325 : vector<16xi32>
      %iota3A_748 = tpu.iota {dimensions = array<i32: 0>} : vector<16xi32>
      %mul3A_749 = arith.constant 5 : i32
      %mul3A_750 = vector.broadcast %mul3A_749 : i32 to vector<16xi32>
      %mul3A_751 = arith.muli %iota3A_748, %mul3A_750 : vector<16xi32>
      %add3A_752 = arith.constant 0 : i32
      %add3A_753 = vector.broadcast %add3A_752 : i32 to vector<16xi32>
      %add3A_754 = arith.addi %mul3A_751, %add3A_753 : vector<16xi32>
      %add3A_755 = arith.constant 0 : i32
      %add3A_756 = vector.broadcast %add3A_755 : i32 to vector<16xi32>
      %add3A_757 = arith.addi %sub3A, %add3A_756 : vector<16xi32>
      tpu.vector_store_idx %arg11[%add3A_754], %add3A_757 : memref<80xi32, #tpu.memory_space<vmem>>[vector<16xi32>], vector<16xi32>,
      tpu.vector_store_idx %arg12[%add3A_754], %div3A_327 : memref<80xf32, #tpu.memory_space<vmem>>[vector<16xi32>], vector<16xf32>,
      %mul3A_758 = arith.constant 5 : i32
      %mul3A_759 = vector.broadcast %mul3A_758 : i32 to vector<16xi32>
      %mul3A_760 = arith.muli %iota3A_748, %mul3A_759 : vector<16xi32>
      %add3A_761 = arith.constant 1 : i32
      %add3A_762 = vector.broadcast %add3A_761 : i32 to vector<16xi32>
      %add3A_763 = arith.addi %mul3A_760, %add3A_762 : vector<16xi32>
      %add3A_764 = arith.constant 1 : i32
      %add3A_765 = vector.broadcast %add3A_764 : i32 to vector<16xi32>
      %add3A_766 = arith.addi %sub3A, %add3A_765 : vector<16xi32>
      tpu.vector_store_idx %arg11[%add3A_763], %add3A_766 : memref<80xi32, #tpu.memory_space<vmem>>[vector<16xi32>], vector<16xi32>,
      tpu.vector_store_idx %arg12[%add3A_763], %div3A_327 : memref<80xf32, #tpu.memory_space<vmem>>[vector<16xi32>], vector<16xf32>,
      %mul3A_767 = arith.constant 5 : i32
      %mul3A_768 = vector.broadcast %mul3A_767 : i32 to vector<16xi32>
      %mul3A_769 = arith.muli %iota3A_748, %mul3A_768 : vector<16xi32>
      %add3A_770 = arith.constant 2 : i32
      %add3A_771 = vector.broadcast %add3A_770 : i32 to vector<16xi32>
      %add3A_772 = arith.addi %mul3A_769, %add3A_771 : vector<16xi32>
      %add3A_773 = arith.constant 2 : i32
      %add3A_774 = vector.broadcast %add3A_773 : i32 to vector<16xi32>
      %add3A_775 = arith.addi %sub3A, %add3A_774 : vector<16xi32>
      tpu.vector_store_idx %arg11[%add3A_772], %add3A_775 : memref<80xi32, #tpu.memory_space<vmem>>[vector<16xi32>], vector<16xi32>,
      tpu.vector_store_idx %arg12[%add3A_772], %div3A_327 : memref<80xf32, #tpu.memory_space<vmem>>[vector<16xi32>], vector<16xf32>,
      %mul3A_776 = arith.constant 5 : i32
      %mul3A_777 = vector.broadcast %mul3A_776 : i32 to vector<16xi32>
      %mul3A_778 = arith.muli %iota3A_748, %mul3A_777 : vector<16xi32>
      %add3A_779 = arith.constant 3 : i32
      %add3A_780 = vector.broadcast %add3A_779 : i32 to vector<16xi32>
      %add3A_781 = arith.addi %mul3A_778, %add3A_780 : vector<16xi32>
      %add3A_782 = arith.constant 3 : i32
      %add3A_783 = vector.broadcast %add3A_782 : i32 to vector<16xi32>
      %add3A_784 = arith.addi %sub3A, %add3A_783 : vector<16xi32>
      tpu.vector_store_idx %arg11[%add3A_781], %add3A_784 : memref<80xi32, #tpu.memory_space<vmem>>[vector<16xi32>], vector<16xi32>,
      tpu.vector_store_idx %arg12[%add3A_781], %div3A_327 : memref<80xf32, #tpu.memory_space<vmem>>[vector<16xi32>], vector<16xf32>,
      %mul3A_785 = arith.constant 5 : i32
      %mul3A_786 = vector.broadcast %mul3A_785 : i32 to vector<16xi32>
      %mul3A_787 = arith.muli %iota3A_748, %mul3A_786 : vector<16xi32>
      %add3A_788 = arith.constant 4 : i32
      %add3A_789 = vector.broadcast %add3A_788 : i32 to vector<16xi32>
      %add3A_790 = arith.addi %mul3A_787, %add3A_789 : vector<16xi32>
      %add3A_791 = arith.constant 4 : i32
      %add3A_792 = vector.broadcast %add3A_791 : i32 to vector<16xi32>
      %add3A_793 = arith.addi %sub3A, %add3A_792 : vector<16xi32>
      tpu.vector_store_idx %arg11[%add3A_790], %add3A_793 : memref<80xi32, #tpu.memory_space<vmem>>[vector<16xi32>], vector<16xi32>,
      tpu.vector_store_idx %arg12[%add3A_790], %div3A_327 : memref<80xf32, #tpu.memory_space<vmem>>[vector<16xi32>], vector<16xf32>,
      "tpu.region"() ({
        %run_scoped3A = tpu.sem_alloc : memref<!tpu.dma_semaphore, #tpu.memory_space<semaphore_mem>>
        tpu.enqueue_dma source(%arg11 : memref<80xi32, #tpu.memory_space<vmem>>) target(%arg4 : memref<80xi32, #tpu.memory_space<hbm>>) target_semaphore(%run_scoped3A : memref<!tpu.dma_semaphore, #tpu.memory_space<semaphore_mem>>)
        tpu.wait_dma2 semaphore(%run_scoped3A : memref<!tpu.dma_semaphore, #tpu.memory_space<semaphore_mem>>) src(%arg11 : memref<80xi32, #tpu.memory_space<vmem>>) dst(%arg4 : memref<80xi32, #tpu.memory_space<hbm>>)
        tpu.yield
      }) : () -> ()
      "tpu.region"() ({
        %run_scoped3A = tpu.sem_alloc : memref<!tpu.dma_semaphore, #tpu.memory_space<semaphore_mem>>
        tpu.enqueue_dma source(%arg12 : memref<80xf32, #tpu.memory_space<vmem>>) target(%arg5 : memref<80xf32, #tpu.memory_space<hbm>>) target_semaphore(%run_scoped3A : memref<!tpu.dma_semaphore, #tpu.memory_space<semaphore_mem>>)
        tpu.wait_dma2 semaphore(%run_scoped3A : memref<!tpu.dma_semaphore, #tpu.memory_space<semaphore_mem>>) src(%arg12 : memref<80xf32, #tpu.memory_space<vmem>>) dst(%arg5 : memref<80xf32, #tpu.memory_space<hbm>>)
        tpu.yield
      }) : () -> ()
    } else {
    }
    return
  }
}

</mosaic_0001>

<sc_bundles>
// kernel: kernel.3.cloned.1.call-start
scs
__scs_entry_jumppad:
0x0: {  	(pc) =	sbr.rel $0x88, $3  }
0x1: {  	(tag) =	ssettag $0x0;
	lr =	simm.s32 $0x1  }
0x2: {  	[smem:$0x3F9F] =	sst lr;
	_ =	strace $0xD0000000  }
0x3: {  	_ = 	snop  }
0x4: {  	_ = 	snop  }
0x5: {  	_ = 	snop  }
0x6: {  	_ = 	snop  }
0x7: {  	_ = 	snop  }
__scs_overlays_trampoline_lowered:
0x8: {  	[smem:$0x3FAE] =	sst s0  }
0x9: {  	[smem:$0x3FAF] =	sst s1  }
0xa: {  	[smem:$0x3FB0] =	sst s2  }
0xb: {  	[smem:$0x3FB1] =	sst s3  }
0xc: {  	[smem:$0x3FB2] =	sst s4  }
0xd: {  	[smem:$0x3FB3] =	sst s5  }
0xe: {  	[smem:$0x3FB4] =	sst s6  }
0xf: {  	[smem:$0x3FB5] =	sst s7  }
0x10: {  	[smem:$0x3FB6] =	sst s8  }
0x11: {  	[smem:$0x3FB7] =	sst s9;
	s0 =	simm.s32 @!p0 $0x0  }
0x12: {  	s1 =	sld [smem:$0x3F9D];
	s0 =	simm.s32 @p0 $0x1  }
0x13: {  	[smem:$0x3FB8] =	sst s0;
	s0 =	simm.s32 @!p1 $0x0  }
0x14: {  	s2 =	sld [smem:$0x3F9C];
	s0 =	simm.s32 @p1 $0x1  }
0x15: {  	[smem:$0x3FB9] =	sst s0;
	s0 =	simm.s32 @!p2 $0x0  }
0x16: {  	s3 =	sld [smem:$0x3FDB];
	s0 =	simm.s32 @p2 $0x1  }
0x17: {  	s4 =	simm.s32 $0x1BF5;
	[smem:$0x3FBB] =	sst s0  }
0x18: {  	s0 =	sld [smem:$0x3F9E];
	_ =	swait.ge [sflag:s4], $0x0  }
0x19: {  	s7 =	sld [smem:$0x3F9F]  }
0x1a: {  	s8 =	sadd.s32 $0xFFFFE003, lr  }
0x1b: {  	s9 =	sadd.s32 $0xFFFFFEF7, lr;
	s5 =	simm.s32 $0xFFFFFFFF;
	p2 =	slt.u32 s8, $0xFFFFF086  }
0x1c: {  	p1 =	slt.u32 s9, $0xF7A;
	s5 =	simm.s32 @!p2 $0x0  }
0x1d: {  	s5 =	simm.s32 @p1 $0x1;
	p0 =	seq.s32 s7, s2  }
0x1e: {  	s7 =	smul.u32 @!p0 $0xF7A, s2;
	p2 =	seq.s32 @!p0 s5, $0x0  }
0x1f: {  	s9 =	smul.u32 $0xF7A, s1;
	s8 =	simm.s32 @!p0 $0x1BF5;
	p2 =	por !p2, p0  }
0x20: {  	[sflag:s8] =	ssyncset.s32 @!p0 $0xFFFFF086;
	s6 =	sadd.s32 @!p0 s3, s7;
	s7 =	simm.s32 @!p0 $0x108  }
0x21: {  	s3 =	sadd.s32 s3, s9;
	s6 =	sadd.s32 @!p0 $0x88, s6;
	s7 =	simm.s32 @p2 $0x1082  }
0x22: {  	[simem:s7], [sflag:s8] =	dma.local @!p0 [hbm:s6], $0xF7A  }
0x23: {  	s9 =	sor.u32 $0xD0000000, s2;
	s6 =	simm.s32 $0x108;
	_ =	swait.ge @!p0 [sflag:s8], $0x0  }
0x24: {  	s3 =	sadd.s32 $0x88, s3;
	s6 =	simm.s32 @!p1 $0x1082;
	[sflag:s4] =	ssyncset.s32 $0xFFFFF086  }
0x25: {  	[simem:s6], [sflag:s4] =	dma.local [hbm:s3], $0xF7A  }
0x26: {  	[smem:$0x3F9F] =	sst s1;
	(tag) =	ssettag s2;
	_ =	strace s9  }
0x27: {  	s1 =	sld [smem:$0x3FAF]  }
0x28: {  	s2 =	sld [smem:$0x3FB0]  }
0x29: {  	s4 =	sld [smem:$0x3FB2]  }
0x2a: {  	p0 =	seq.s32 s5, $0x0;
	s5 =	sld [smem:$0x3FB3]  }
0x2b: {  	s6 =	sld [smem:$0x3FB4]  }
0x2c: {  	s7 =	sld [smem:$0x3FB5]  }
0x2d: {  	s3 =	simm.s32 $0x108;
	s8 =	sld [smem:$0x3FB6]  }
0x2e: {  	s3 =	simm.s32 @!p0 $0x1082;
	s9 =	sld [smem:$0x3FB7]  }
0x2f: {  	lr =	sadd.s32 s0, s3;
	s0 =	sld [smem:$0x3FAE]  }
0x30: {  	s3 =	sld [smem:$0x3FB1]  }
0x31: {  	[smem:$0x3FBA] =	sst s10  }
0x32: {  	s10 =	sld [smem:$0x3FB8];
	_ =	sdelay $0x3  }
0x33: {  	p0 =	seq.s32 s10, $0x1;
	s10 =	sld [smem:$0x3FBA];
	_ =	sdelay $0x3  }
0x34: {  	[smem:$0x3FBA] =	sst s10  }
0x35: {  	s10 =	sld [smem:$0x3FB9];
	_ =	sdelay $0x3  }
0x36: {  	p1 =	seq.s32 s10, $0x1;
	s10 =	sld [smem:$0x3FBA];
	_ =	sdelay $0x3  }
0x37: {  	[smem:$0x3FBA] =	sst s10  }
0x38: {  	s10 =	sld [smem:$0x3FBB]  }
0x39: {  	_ = 	snop;
	(pc) =	sbr.ind lr, $3  }
0x3a: {  	_ = 	snop  }
0x3b: {  	_ = 	snop  }
0x3c: {  	p2 =	seq.s32 s10, $0x1;
	s10 =	sld [smem:$0x3FBA]  }
0x3d: {  	_ =	shalt  }
0x3e: {  	_ =	shalt  }
0x3f: {  	_ =	shalt  }
0x40: {  	_ =	shalt  }
0x41: {  	_ =	shalt  }
0x42: {  	_ =	shalt  }
0x43: {  	_ =	shalt  }
0x44: {  	_ =	shalt  }
0x45: {  	_ =	shalt  }
0x46: {  	_ =	shalt  }
0x47: {  	_ =	shalt  }
0x48: {  	_ =	shalt  }
0x49: {  	_ =	shalt  }
0x4a: {  	_ =	shalt  }
0x4b: {  	_ =	shalt  }
0x4c: {  	_ =	shalt  }
0x4d: {  	_ =	shalt  }
0x4e: {  	_ =	shalt  }
0x4f: {  	_ =	shalt  }
0x50: {  	_ =	shalt  }
0x51: {  	_ =	shalt  }
0x52: {  	_ =	shalt  }
0x53: {  	_ =	shalt  }
0x54: {  	_ =	shalt  }
0x55: {  	_ =	shalt  }
0x56: {  	_ =	shalt  }
0x57: {  	_ =	shalt  }
0x58: {  	_ =	shalt  }
0x59: {  	_ =	shalt  }
0x5a: {  	_ =	shalt  }
0x5b: {  	_ =	shalt  }
0x5c: {  	_ =	shalt  }
0x5d: {  	_ =	shalt  }
0x5e: {  	_ =	shalt  }
0x5f: {  	_ =	shalt  }
0x60: {  	_ =	shalt  }
0x61: {  	_ =	shalt  }
0x62: {  	_ =	shalt  }
0x63: {  	_ =	shalt  }
0x64: {  	_ =	shalt  }
0x65: {  	_ =	shalt  }
0x66: {  	_ =	shalt  }
0x67: {  	_ =	shalt  }
0x68: {  	_ =	shalt  }
0x69: {  	_ =	shalt  }
0x6a: {  	_ =	shalt  }
0x6b: {  	_ =	shalt  }
0x6c: {  	_ =	shalt  }
0x6d: {  	_ =	shalt  }
0x6e: {  	_ =	shalt  }
0x6f: {  	_ =	shalt  }
0x70: {  	_ =	shalt  }
0x71: {  	_ =	shalt  }
0x72: {  	_ =	shalt  }
0x73: {  	_ =	shalt  }
0x74: {  	_ =	shalt  }
0x75: {  	_ =	shalt  }
0x76: {  	_ =	shalt  }
0x77: {  	_ =	shalt  }
0x78: {  	_ =	shalt  }
0x79: {  	_ =	shalt  }
0x7a: {  	_ =	shalt  }
0x7b: {  	_ =	shalt  }
0x7c: {  	_ =	shalt  }
0x7d: {  	_ =	shalt  }
0x7e: {  	_ =	shalt  }
0x7f: {  	_ =	shalt  }
0x80: {  	_ =	shalt  }
0x81: {  	_ =	shalt  }
0x82: {  	_ =	shalt  }
0x83: {  	_ =	shalt  }
0x84: {  	_ =	shalt  }
0x85: {  	_ =	shalt  }
0x86: {  	_ =	shalt  }
0x87: {  	_ =	shalt  }
.Lfunc_end0:
.L_simem_size_0:
called_computation_lowered:
.L_overlay_start_0:
0x88: {  	s0 =	sld [smem:$0x3FD9]  }
0x89: {  	s1 =	sld [smem:$0x3FFE];
	_ =	sdelay $0x3  }
0x8a: {  	s0 =	sadd.s32 s1, s0  }
0x8b: {  	[smem:$0x3FC6] =	sst s0  }
0x8c: {  	_ = 	snop  }
0x8d: {  	s0 =	sld [smem:$0x3FD0];
	_ =	sdelay $0x2  }
0x8e: {  	s2 =	simm.s32 $0xA;
	s3 =	simm.s32 $0x10;
	s14 =	sld [smem:$0x3FC8]  }
0x8f: {  	[smem:s3], [sflag:s2] =	dma.local [hbm:s0], $0x1  }
0x90: {  	_ =	swait.eq [sflag:s2], $0x1  }
0x91: {  	s15 =	sld [smem:$0x11];
	[sflag:s2] =	ssyncset.done $0x0  }
0x92: {  	s16 =	sld [smem:$0x12];
	[sflag:s2] =	ssyncadd.s32 $0xFFFFFFFF  }
0x93: {  	s17 =	sld [smem:$0x13];
	(tm) =	ssettm $0x1  }
0x94: {  	s4 =	sld [smem:$0x3FFB];
	_ =	sdelay $0x3  }
0x95: {  	_ =	strace s4  }
0x96: {  	s4 =	sld [smem:$0x3FFC];
	_ =	sdelay $0x3  }
0x97: {  	_ =	strace s4  }
0x98: {  	s4 =	sld [smem:$0x3FFD];
	_ =	sdelay $0x3  }
0x99: {  	_ =	strace s4  }
0x9a: {  	_ =	strace $0x8FFFFFFF  }
0x9b: {  	s18 =	sld [smem:$0x3FDB];
	_ =	sdelay $0x1  }
0x9c: {  	s5 =	simm.s32 $_scs_section_size  }
0x9d: {  	s6 =	simm.s32 $_size__tile_overlayer_lowered;
	s7 =	simm.s32 $_tile_overlayer_lowered  }
0x9e: {  	s21 =	simm.s32 $0x1BFF;
	s20 =	sshll.u32 s7, $0x1;
	s4 =	sadd.s32 s5, s18  }
0x9f: {  	s8 =	simm.s32 $0x0;
	s19 =	sshll.u32 s6, $0x1;
	s6 =	sadd.s32 s20, s4  }
0xa0: {  	[timem:s8], [sflag:s21] =	dma.local [hbm:s6], s19  }
0xa1: {  	_ =	swait.ge [sflag:s21], s19  }
0xa2: {  	s5 =	ssub.s32 $0x0, s19;
	[sflag:s21] =	ssyncset.done $0x0  }
0xa3: {  	[sflag:s21] =	ssyncadd.s32 s5;
	_ =	sdelay $0x1  }
0xa4: {  	s22 =	simm.s32 $0x1B8B  }
0xa5: {  	_ =	swait.ge [sflag:s22], $0x1  }
0xa6: {  	[sflag:s22] =	ssyncset.done $0x0  }
0xa7: {  	s23 =	simm.s32 $0x1B8E;
	[sflag:s22] =	ssyncadd.s32 $0xFFFFFFFF  }
0xa8: {  	s24 =	simm.s32 $execute0_lowered;
	[smem:$0x3FD2] =	sst s23  }
0xa9: {  	s5 =	sshll.u32 s24, $0x1;
	_ =	strace $0x80000046;
	[dreg:$0x1] =	wrdreg $0xFFFFFFFF  }
0xaa: {  	s25 =	simm.s32 $_size_execute0_lowered;
	s4 =	sadd.s32 s4, s5;
	[dreg:$0x0] =	wrdreg $0x0  }
0xab: {  	s5 =	sshll.u32 s25, $0x1;
	[dreg:$0x2] =	wrdreg s4  }
0xac: {  	[dreg:$0x3] =	wrdreg s5  }
0xad: {  	[dreg:$0x4] =	wrdreg $0xC0  }
0xae: {  	_ =	task [dreg:s8], $0x5FFFF  }
0xaf: {  	[dreg:$0x1] =	wrdreg $0xFFFFFFFF  }
0xb0: {  	[dreg:$0x0] =	wrdreg $0x60  }
0xb1: {  	[dreg:$0x2] =	wrdreg s14  }
0xb2: {  	[dreg:$0x3] =	wrdreg s15  }
0xb3: {  	[dreg:$0x4] =	wrdreg s16  }
0xb4: {  	[dreg:$0x5] =	wrdreg s17  }
0xb5: {  	[dreg:$0x6] =	wrdreg $0xC000  }
0xb6: {  	[dreg:$0x7] =	wrdreg $0x9  }
0xb7: {  	_ =	task.clear_ibuf [dreg:s8], $0x8FFFF;
	_ =	strace $0x90000046  }
0xb8: {  	s26 =	simm.s32 $0x9;
	_ =	strace $0x80000048  }
0xb9: {  	_ =	swait.ge [sflag:s26], $0x1  }
0xba: {  	[sflag:s26] =	ssyncadd.s32 $0xFFFFFFFF  }
0xbb: {  	_ =	strace $0x90000048  }
0xbc: {  	_ =	sfence  }
0xbd: {  	s28 =	sld [smem:$0x0];
	_ =	sdelay $0x1  }
0xbe: {  	s29 =	srdreg.scid  }
0xbf: {  	s30 =	sshll.u32 s29, $0xD;
	s31 =	sshrl.u32 s29, $0x2  }
0xc0: {  	s1 =	sand.u32 $0x1, s29;
	s2 =	sand.u32 $0x4000, s30;
	s0 =	sadd.s32 s31, s28  }
0xc1: {  	s1 =	sor.u32 s2, s1;
	s0 =	sshll.u32 s0, $0x11  }
0xc2: {  	s0 =	sor.u32 s0, s1  }
0xc3: {  	s0 =	sadd.s32 $0x8F2B, s0  }
0xc4: {  	[sflag:s0] =	ssyncadd.remote.s32 $0x1  }
0xc5: {  	_ =	sfence.sel $0xFFFF  }
0xc6: {  	[dreg:$0x0] =	wrdreg $0xFFFFFFFF;
	(pc) =	sbr.abs _section_cstart, $3  }
0xc7: {  	[dreg:$0x1] =	wrdreg $0xFFFFFFFF  }
0xc8: {  	_ =	task.clear_ibuf [dreg:s8], $0x2FFFF;
	_ =	strace $0x9FFFFFFF  }
0xc9: {  	(tm) =	ssettm $0x7FFFFFFF  }
tec
execute0_lowered:
.L_overlay_start_1:
0x0: {  	(tag) =	ssettag $0x1  }
0x1: {  	s6 =	rddreg [dreg:$0x0]  }
0x2: {  	s3 =	rddreg [dreg:$0x1]  }
0x3: {  	s2 =	rddreg [dreg:$0x2]  }
0x4: {  	s1 =	rddreg [dreg:$0x3]  }
0x5: {  	s8 =	rddreg [dreg:$0x4]  }
0x6: {  	s0 =	rddreg [dreg:$0x5];
	s5 =	simm.s32 $0x0;
	s4 =	stileid.u32  }
0x7: {  	[smem:$0x7FF] =	sst s5;
	s7 =	sshll.u32 s4, $0x7  }
0x8: {  	s28 =	simm.s32 $0x1;
	_ =	strace $0x80000047;
	s6 =	sadd.s32 s6, s7  }
0x9: {  	[tilespmem:s5], [sflag:$0x1] =	stream.linear.gather [hbm4b:s6+s5], $0x400, $0x38;
	[tilespmem:$0xC10] =	vst v63  }
0xa: {  	_ =	swait.ge [sflag:s28], $0x400  }
0xb: {  	[sflag:s28] =	ssyncset.done $0x0  }
0xc: {  	v1 =	vimm.s32 $0x0;
	[sflag:s28] =	ssyncadd.s32 $0xFFFFFC00  }
0xd: {  	[tilespmem:$0x400] =	vst v1  }
0xe: {  	[tilespmem:$0x410] =	vst v1  }
0xf: {  	[tilespmem:$0x420] =	vst v1  }
0x10: {  	[tilespmem:$0x430] =	vst v1  }
0x11: {  	[tilespmem:$0x440] =	vst v1  }
0x12: {  	[tilespmem:$0x450] =	vst v1  }
0x13: {  	[tilespmem:$0x460] =	vst v1;
	v2 =	vld [tilespmem:$0x0]  }
0x14: {  	[tilespmem:$0x470] =	vst v1  }
0x15: {  	v0 =	vlaneseq.u32;
	[tilespmem:$0x480] =	vst v1  }
0x16: {  	v0 =	vmul.u32 $0x10, v0;
	[tilespmem:$0x490] =	vst v1  }
0x17: {  	[tilespmem:$0x4A0] =	vst v1  }
0x18: {  	[tilespmem:$0x4B0] =	vst v1;
	v2 =	vadd.s32 v0, v2  }
0x19: {  	[tilespmem:$0x4C0] =	vst v1  }
0x1a: {  	[tilespmem:$0x4D0] =	vst v1  }
0x1b: {  	[tilespmem:$0x4E0] =	vst v1  }
0x1c: {  	v24 =	vimm.s32 $0x1;
	s9 =	simm.s32 $0x400;
	[tilespmem:$0x4F0] =	vst v1  }
0x1d: {  	[tilespmem:v2+s9+$0x0] =	vst.idx.add.s32.msk $0xffff, v24  }
0x1e: {  	v2 =	vld [tilespmem:$0x10];
	_ =	sdelay $0x4  }
0x1f: {  	v2 =	vadd.s32 v0, v2;
	_ =	sdelay $0x4  }
0x20: {  	[tilespmem:v2+s9+$0x0] =	vst.idx.add.s32.msk $0xffff, v24  }
0x21: {  	v2 =	vld [tilespmem:$0x20];
	_ =	sdelay $0x4  }
0x22: {  	v2 =	vadd.s32 v0, v2;
	_ =	sdelay $0x4  }
0x23: {  	[tilespmem:v2+s9+$0x0] =	vst.idx.add.s32.msk $0xffff, v24  }
0x24: {  	v2 =	vld [tilespmem:$0x30];
	_ =	sdelay $0x4  }
0x25: {  	v2 =	vadd.s32 v0, v2;
	_ =	sdelay $0x4  }
0x26: {  	[tilespmem:v2+s9+$0x0] =	vst.idx.add.s32.msk $0xffff, v24  }
0x27: {  	v2 =	vld [tilespmem:$0x40];
	_ =	sdelay $0x4  }
0x28: {  	v2 =	vadd.s32 v0, v2;
	_ =	sdelay $0x4  }
0x29: {  	[tilespmem:v2+s9+$0x0] =	vst.idx.add.s32.msk $0xffff, v24  }
0x2a: {  	v2 =	vld [tilespmem:$0x50];
	_ =	sdelay $0x4  }
0x2b: {  	v2 =	vadd.s32 v0, v2;
	_ =	sdelay $0x4  }
0x2c: {  	[tilespmem:v2+s9+$0x0] =	vst.idx.add.s32.msk $0xffff, v24  }
0x2d: {  	v2 =	vld [tilespmem:$0x60];
	_ =	sdelay $0x4  }
0x2e: {  	v2 =	vadd.s32 v0, v2;
	_ =	sdelay $0x4  }
0x2f: {  	[tilespmem:v2+s9+$0x0] =	vst.idx.add.s32.msk $0xffff, v24  }
0x30: {  	v2 =	vld [tilespmem:$0x70];
	_ =	sdelay $0x4  }
0x31: {  	v2 =	vadd.s32 v0, v2;
	_ =	sdelay $0x4  }
0x32: {  	[tilespmem:v2+s9+$0x0] =	vst.idx.add.s32.msk $0xffff, v24  }
0x33: {  	v2 =	vld [tilespmem:$0x80];
	_ =	sdelay $0x4  }
0x34: {  	v2 =	vadd.s32 v0, v2;
	_ =	sdelay $0x4  }
0x35: {  	[tilespmem:v2+s9+$0x0] =	vst.idx.add.s32.msk $0xffff, v24  }
0x36: {  	v2 =	vld [tilespmem:$0x90];
	_ =	sdelay $0x4  }
0x37: {  	v2 =	vadd.s32 v0, v2;
	_ =	sdelay $0x4  }
0x38: {  	[tilespmem:v2+s9+$0x0] =	vst.idx.add.s32.msk $0xffff, v24  }
0x39: {  	v2 =	vld [tilespmem:$0xA0];
	_ =	sdelay $0x4  }
0x3a: {  	v2 =	vadd.s32 v0, v2;
	_ =	sdelay $0x4  }
0x3b: {  	[tilespmem:v2+s9+$0x0] =	vst.idx.add.s32.msk $0xffff, v24  }
0x3c: {  	v2 =	vld [tilespmem:$0xB0];
	_ =	sdelay $0x4  }
0x3d: {  	v2 =	vadd.s32 v0, v2;
	_ =	sdelay $0x4  }
0x3e: {  	[tilespmem:v2+s9+$0x0] =	vst.idx.add.s32.msk $0xffff, v24  }
0x3f: {  	v2 =	vld [tilespmem:$0xC0];
	_ =	sdelay $0x4  }
0x40: {  	v2 =	vadd.s32 v0, v2;
	_ =	sdelay $0x4  }
0x41: {  	[tilespmem:v2+s9+$0x0] =	vst.idx.add.s32.msk $0xffff, v24  }
0x42: {  	v2 =	vld [tilespmem:$0xD0];
	_ =	sdelay $0x4  }
0x43: {  	v2 =	vadd.s32 v0, v2;
	_ =	sdelay $0x4  }
0x44: {  	[tilespmem:v2+s9+$0x0] =	vst.idx.add.s32.msk $0xffff, v24  }
0x45: {  	v2 =	vld [tilespmem:$0xE0];
	_ =	sdelay $0x4  }
0x46: {  	v2 =	vadd.s32 v0, v2;
	_ =	sdelay $0x4  }
0x47: {  	[tilespmem:v2+s9+$0x0] =	vst.idx.add.s32.msk $0xffff, v24  }
0x48: {  	v2 =	vld [tilespmem:$0xF0];
	_ =	sdelay $0x4  }
0x49: {  	v2 =	vadd.s32 v0, v2;
	_ =	sdelay $0x4  }
0x4a: {  	[tilespmem:v2+s9+$0x0] =	vst.idx.add.s32.msk $0xffff, v24  }
0x4b: {  	v2 =	vld [tilespmem:$0x100];
	_ =	sdelay $0x4  }
0x4c: {  	v2 =	vadd.s32 v0, v2;
	_ =	sdelay $0x4  }
0x4d: {  	[tilespmem:v2+s9+$0x0] =	vst.idx.add.s32.msk $0xffff, v24  }
0x4e: {  	v2 =	vld [tilespmem:$0x110];
	_ =	sdelay $0x4  }
0x4f: {  	v2 =	vadd.s32 v0, v2;
	_ =	sdelay $0x4  }
0x50: {  	[tilespmem:v2+s9+$0x0] =	vst.idx.add.s32.msk $0xffff, v24  }
0x51: {  	v2 =	vld [tilespmem:$0x120];
	_ =	sdelay $0x4  }
0x52: {  	v2 =	vadd.s32 v0, v2;
	_ =	sdelay $0x4  }
0x53: {  	[tilespmem:v2+s9+$0x0] =	vst.idx.add.s32.msk $0xffff, v24  }
0x54: {  	v2 =	vld [tilespmem:$0x130];
	_ =	sdelay $0x4  }
0x55: {  	v2 =	vadd.s32 v0, v2;
	_ =	sdelay $0x4  }
0x56: {  	[tilespmem:v2+s9+$0x0] =	vst.idx.add.s32.msk $0xffff, v24  }
0x57: {  	v2 =	vld [tilespmem:$0x140];
	_ =	sdelay $0x4  }
0x58: {  	v2 =	vadd.s32 v0, v2;
	_ =	sdelay $0x4  }
0x59: {  	[tilespmem:v2+s9+$0x0] =	vst.idx.add.s32.msk $0xffff, v24  }
0x5a: {  	v2 =	vld [tilespmem:$0x150];
	_ =	sdelay $0x4  }
0x5b: {  	v2 =	vadd.s32 v0, v2;
	_ =	sdelay $0x4  }
0x5c: {  	[tilespmem:v2+s9+$0x0] =	vst.idx.add.s32.msk $0xffff, v24  }
0x5d: {  	v2 =	vld [tilespmem:$0x160];
	_ =	sdelay $0x4  }
0x5e: {  	v2 =	vadd.s32 v0, v2;
	_ =	sdelay $0x4  }
0x5f: {  	[tilespmem:v2+s9+$0x0] =	vst.idx.add.s32.msk $0xffff, v24  }
0x60: {  	v2 =	vld [tilespmem:$0x170];
	_ =	sdelay $0x4  }
0x61: {  	v2 =	vadd.s32 v0, v2;
	_ =	sdelay $0x4  }
0x62: {  	[tilespmem:v2+s9+$0x0] =	vst.idx.add.s32.msk $0xffff, v24  }
0x63: {  	v2 =	vld [tilespmem:$0x180];
	_ =	sdelay $0x4  }
0x64: {  	v2 =	vadd.s32 v0, v2;
	_ =	sdelay $0x4  }
0x65: {  	[tilespmem:v2+s9+$0x0] =	vst.idx.add.s32.msk $0xffff, v24  }
0x66: {  	v2 =	vld [tilespmem:$0x190];
	_ =	sdelay $0x4  }
0x67: {  	v2 =	vadd.s32 v0, v2;
	_ =	sdelay $0x4  }
0x68: {  	[tilespmem:v2+s9+$0x0] =	vst.idx.add.s32.msk $0xffff, v24  }
0x69: {  	v2 =	vld [tilespmem:$0x1A0];
	_ =	sdelay $0x4  }
0x6a: {  	v2 =	vadd.s32 v0, v2;
	_ =	sdelay $0x4  }
0x6b: {  	[tilespmem:v2+s9+$0x0] =	vst.idx.add.s32.msk $0xffff, v24  }
0x6c: {  	v2 =	vld [tilespmem:$0x1B0];
	_ =	sdelay $0x4  }
0x6d: {  	v2 =	vadd.s32 v0, v2;
	_ =	sdelay $0x4  }
0x6e: {  	[tilespmem:v2+s9+$0x0] =	vst.idx.add.s32.msk $0xffff, v24  }
0x6f: {  	v2 =	vld [tilespmem:$0x1C0];
	_ =	sdelay $0x4  }
0x70: {  	v2 =	vadd.s32 v0, v2;
	_ =	sdelay $0x4  }
0x71: {  	[tilespmem:v2+s9+$0x0] =	vst.idx.add.s32.msk $0xffff, v24  }
0x72: {  	v2 =	vld [tilespmem:$0x1D0];
	_ =	sdelay $0x4  }
0x73: {  	v2 =	vadd.s32 v0, v2;
	_ =	sdelay $0x4  }
0x74: {  	[tilespmem:v2+s9+$0x0] =	vst.idx.add.s32.msk $0xffff, v24  }
0x75: {  	v2 =	vld [tilespmem:$0x1E0];
	_ =	sdelay $0x4  }
0x76: {  	v2 =	vadd.s32 v0, v2;
	_ =	sdelay $0x4  }
0x77: {  	[tilespmem:v2+s9+$0x0] =	vst.idx.add.s32.msk $0xffff, v24  }
0x78: {  	v2 =	vld [tilespmem:$0x1F0];
	_ =	sdelay $0x4  }
0x79: {  	v2 =	vadd.s32 v0, v2;
	_ =	sdelay $0x4  }
0x7a: {  	[tilespmem:v2+s9+$0x0] =	vst.idx.add.s32.msk $0xffff, v24  }
0x7b: {  	v2 =	vld [tilespmem:$0x200];
	_ =	sdelay $0x4  }
0x7c: {  	v2 =	vadd.s32 v0, v2;
	_ =	sdelay $0x4  }
0x7d: {  	[tilespmem:v2+s9+$0x0] =	vst.idx.add.s32.msk $0xffff, v24  }
0x7e: {  	v2 =	vld [tilespmem:$0x210];
	_ =	sdelay $0x4  }
0x7f: {  	v2 =	vadd.s32 v0, v2;
	_ =	sdelay $0x4  }
0x80: {  	[tilespmem:v2+s9+$0x0] =	vst.idx.add.s32.msk $0xffff, v24  }
0x81: {  	v2 =	vld [tilespmem:$0x220];
	_ =	sdelay $0x4  }
0x82: {  	v2 =	vadd.s32 v0, v2;
	_ =	sdelay $0x4  }
0x83: {  	[tilespmem:v2+s9+$0x0] =	vst.idx.add.s32.msk $0xffff, v24  }
0x84: {  	v2 =	vld [tilespmem:$0x230];
	_ =	sdelay $0x4  }
0x85: {  	v2 =	vadd.s32 v0, v2;
	_ =	sdelay $0x4  }
0x86: {  	[tilespmem:v2+s9+$0x0] =	vst.idx.add.s32.msk $0xffff, v24  }
0x87: {  	v2 =	vld [tilespmem:$0x240];
	_ =	sdelay $0x4  }
0x88: {  	v2 =	vadd.s32 v0, v2;
	_ =	sdelay $0x4  }
0x89: {  	[tilespmem:v2+s9+$0x0] =	vst.idx.add.s32.msk $0xffff, v24  }
0x8a: {  	v2 =	vld [tilespmem:$0x250];
	_ =	sdelay $0x4  }
0x8b: {  	v2 =	vadd.s32 v0, v2;
	_ =	sdelay $0x4  }
0x8c: {  	[tilespmem:v2+s9+$0x0] =	vst.idx.add.s32.msk $0xffff, v24  }
0x8d: {  	v2 =	vld [tilespmem:$0x260];
	_ =	sdelay $0x4  }
0x8e: {  	v2 =	vadd.s32 v0, v2;
	_ =	sdelay $0x4  }
0x8f: {  	[tilespmem:v2+s9+$0x0] =	vst.idx.add.s32.msk $0xffff, v24  }
0x90: {  	v2 =	vld [tilespmem:$0x270];
	_ =	sdelay $0x4  }
0x91: {  	v2 =	vadd.s32 v0, v2;
	_ =	sdelay $0x4  }
0x92: {  	[tilespmem:v2+s9+$0x0] =	vst.idx.add.s32.msk $0xffff, v24  }
0x93: {  	v2 =	vld [tilespmem:$0x280];
	_ =	sdelay $0x4  }
0x94: {  	v2 =	vadd.s32 v0, v2;
	_ =	sdelay $0x4  }
0x95: {  	[tilespmem:v2+s9+$0x0] =	vst.idx.add.s32.msk $0xffff, v24  }
0x96: {  	v2 =	vld [tilespmem:$0x290];
	_ =	sdelay $0x4  }
0x97: {  	v2 =	vadd.s32 v0, v2;
	_ =	sdelay $0x4  }
0x98: {  	[tilespmem:v2+s9+$0x0] =	vst.idx.add.s32.msk $0xffff, v24  }
0x99: {  	v2 =	vld [tilespmem:$0x2A0];
	_ =	sdelay $0x4  }
0x9a: {  	v2 =	vadd.s32 v0, v2;
	_ =	sdelay $0x4  }
0x9b: {  	[tilespmem:v2+s9+$0x0] =	vst.idx.add.s32.msk $0xffff, v24  }
0x9c: {  	v2 =	vld [tilespmem:$0x2B0];
	_ =	sdelay $0x4  }
0x9d: {  	v2 =	vadd.s32 v0, v2;
	_ =	sdelay $0x4  }
0x9e: {  	[tilespmem:v2+s9+$0x0] =	vst.idx.add.s32.msk $0xffff, v24  }
0x9f: {  	v2 =	vld [tilespmem:$0x2C0];
	_ =	sdelay $0x4  }
0xa0: {  	v2 =	vadd.s32 v0, v2;
	_ =	sdelay $0x4  }
0xa1: {  	[tilespmem:v2+s9+$0x0] =	vst.idx.add.s32.msk $0xffff, v24  }
0xa2: {  	v2 =	vld [tilespmem:$0x2D0];
	_ =	sdelay $0x4  }
0xa3: {  	v2 =	vadd.s32 v0, v2;
	_ =	sdelay $0x4  }
0xa4: {  	[tilespmem:v2+s9+$0x0] =	vst.idx.add.s32.msk $0xffff, v24  }
0xa5: {  	v2 =	vld [tilespmem:$0x2E0];
	_ =	sdelay $0x4  }
0xa6: {  	v2 =	vadd.s32 v0, v2;
	_ =	sdelay $0x4  }
0xa7: {  	[tilespmem:v2+s9+$0x0] =	vst.idx.add.s32.msk $0xffff, v24  }
0xa8: {  	v2 =	vld [tilespmem:$0x2F0];
	_ =	sdelay $0x4  }
0xa9: {  	v2 =	vadd.s32 v0, v2;
	_ =	sdelay $0x4  }
0xaa: {  	[tilespmem:v2+s9+$0x0] =	vst.idx.add.s32.msk $0xffff, v24  }
0xab: {  	v2 =	vld [tilespmem:$0x300];
	_ =	sdelay $0x4  }
0xac: {  	v2 =	vadd.s32 v0, v2;
	_ =	sdelay $0x4  }
0xad: {  	[tilespmem:v2+s9+$0x0] =	vst.idx.add.s32.msk $0xffff, v24  }
0xae: {  	v2 =	vld [tilespmem:$0x310];
	_ =	sdelay $0x4  }
0xaf: {  	v2 =	vadd.s32 v0, v2;
	_ =	sdelay $0x4  }
0xb0: {  	[tilespmem:v2+s9+$0x0] =	vst.idx.add.s32.msk $0xffff, v24  }
0xb1: {  	v2 =	vld [tilespmem:$0x320];
	_ =	sdelay $0x4  }
0xb2: {  	v2 =	vadd.s32 v0, v2;
	_ =	sdelay $0x4  }
0xb3: {  	[tilespmem:v2+s9+$0x0] =	vst.idx.add.s32.msk $0xffff, v24  }
0xb4: {  	v2 =	vld [tilespmem:$0x330];
	_ =	sdelay $0x4  }
0xb5: {  	v2 =	vadd.s32 v0, v2;
	_ =	sdelay $0x4  }
0xb6: {  	[tilespmem:v2+s9+$0x0] =	vst.idx.add.s32.msk $0xffff, v24  }
0xb7: {  	v2 =	vld [tilespmem:$0x340];
	_ =	sdelay $0x4  }
0xb8: {  	v2 =	vadd.s32 v0, v2;
	_ =	sdelay $0x4  }
0xb9: {  	[tilespmem:v2+s9+$0x0] =	vst.idx.add.s32.msk $0xffff, v24  }
0xba: {  	v2 =	vld [tilespmem:$0x350];
	_ =	sdelay $0x4  }
0xbb: {  	v2 =	vadd.s32 v0, v2;
	_ =	sdelay $0x4  }
0xbc: {  	[tilespmem:v2+s9+$0x0] =	vst.idx.add.s32.msk $0xffff, v24  }
0xbd: {  	v2 =	vld [tilespmem:$0x360];
	_ =	sdelay $0x4  }
0xbe: {  	v2 =	vadd.s32 v0, v2;
	_ =	sdelay $0x4  }
0xbf: {  	[tilespmem:v2+s9+$0x0] =	vst.idx.add.s32.msk $0xffff, v24  }
0xc0: {  	v2 =	vld [tilespmem:$0x370];
	_ =	sdelay $0x4  }
0xc1: {  	v2 =	vadd.s32 v0, v2;
	_ =	sdelay $0x4  }
0xc2: {  	[tilespmem:v2+s9+$0x0] =	vst.idx.add.s32.msk $0xffff, v24  }
0xc3: {  	v2 =	vld [tilespmem:$0x380];
	_ =	sdelay $0x4  }
0xc4: {  	v2 =	vadd.s32 v0, v2;
	_ =	sdelay $0x4  }
0xc5: {  	[tilespmem:v2+s9+$0x0] =	vst.idx.add.s32.msk $0xffff, v24  }
0xc6: {  	v2 =	vld [tilespmem:$0x390];
	_ =	sdelay $0x4  }
0xc7: {  	v2 =	vadd.s32 v0, v2;
	_ =	sdelay $0x4  }
0xc8: {  	[tilespmem:v2+s9+$0x0] =	vst.idx.add.s32.msk $0xffff, v24  }
0xc9: {  	v2 =	vld [tilespmem:$0x3A0];
	_ =	sdelay $0x4  }
0xca: {  	v2 =	vadd.s32 v0, v2;
	_ =	sdelay $0x4  }
0xcb: {  	[tilespmem:v2+s9+$0x0] =	vst.idx.add.s32.msk $0xffff, v24  }
0xcc: {  	v2 =	vld [tilespmem:$0x3B0];
	_ =	sdelay $0x4  }
0xcd: {  	v2 =	vadd.s32 v0, v2;
	_ =	sdelay $0x4  }
0xce: {  	[tilespmem:v2+s9+$0x0] =	vst.idx.add.s32.msk $0xffff, v24  }
0xcf: {  	v2 =	vld [tilespmem:$0x3C0];
	_ =	sdelay $0x4  }
0xd0: {  	v2 =	vadd.s32 v0, v2;
	_ =	sdelay $0x4  }
0xd1: {  	[tilespmem:v2+s9+$0x0] =	vst.idx.add.s32.msk $0xffff, v24  }
0xd2: {  	v2 =	vld [tilespmem:$0x3D0];
	_ =	sdelay $0x4  }
0xd3: {  	v2 =	vadd.s32 v0, v2;
	_ =	sdelay $0x4  }
0xd4: {  	[tilespmem:v2+s9+$0x0] =	vst.idx.add.s32.msk $0xffff, v24  }
0xd5: {  	v2 =	vld [tilespmem:$0x3E0];
	_ =	sdelay $0x4  }
0xd6: {  	v2 =	vadd.s32 v0, v2;
	_ =	sdelay $0x4  }
0xd7: {  	[tilespmem:v2+s9+$0x0] =	vst.idx.add.s32.msk $0xffff, v24  }
0xd8: {  	v2 =	vld [tilespmem:$0x3F0];
	_ =	sdelay $0x4  }
0xd9: {  	v2 =	vadd.s32 v0, v2;
	_ =	sdelay $0x4  }
0xda: {  	[tilespmem:v2+s9+$0x0] =	vst.idx.add.s32.msk $0xffff, v24  }
0xdb: {  	v1 =	vld [tilespmem:$0x400]  }
0xdc: {  	v2 =	vld [tilespmem:$0x410]  }
0xdd: {  	v3 =	vld [tilespmem:$0x420]  }
0xde: {  	v4 =	vld [tilespmem:$0x430]  }
0xdf: {  	v5 =	vld [tilespmem:$0x440]  }
0xe0: {  	v6 =	vld [tilespmem:$0x450]  }
0xe1: {  	v25 =	vld [tilespmem:$0x460];
	v1 =	vadd.s32 v1, v2  }
0xe2: {  	v26 =	vld [tilespmem:$0x470];
	v1 =	vadd.s32 v3, v1  }
0xe3: {  	v27 =	vld [tilespmem:$0x480];
	v1 =	vadd.s32 v4, v1  }
0xe4: {  	v28 =	vld [tilespmem:$0x490];
	v1 =	vadd.s32 v5, v1  }
0xe5: {  	v29 =	vld [tilespmem:$0x4A0];
	v1 =	vadd.s32 v6, v1  }
0xe6: {  	v30 =	vld [tilespmem:$0x4B0];
	v1 =	vadd.s32 v25, v1  }
0xe7: {  	v31 =	vld [tilespmem:$0x4C0];
	v1 =	vadd.s32 v26, v1  }
0xe8: {  	v32 =	vld [tilespmem:$0x4D0];
	v1 =	vadd.s32 v27, v1  }
0xe9: {  	v33 =	vld [tilespmem:$0x4E0];
	v1 =	vadd.s32 v28, v1  }
0xea: {  	v34 =	vld [tilespmem:$0x4F0];
	v1 =	vadd.s32 v29, v1  }
0xeb: {  	v1 =	vadd.s32 v30, v1  }
0xec: {  	v1 =	vadd.s32 v31, v1  }
0xed: {  	v1 =	vadd.s32 v32, v1  }
0xee: {  	v1 =	vadd.s32 v33, v1  }
0xef: {  	s10 =	sshll.u32 s4, $0x4;
	v1 =	vadd.s32 v34, v1  }
0xf0: {  	s10 =	sadd.s32 s10, s8;
	[tilespmem:$0x400] =	vst v1  }
0xf1: {  	[spmem:s10] =	stream.linear.scatter [tilespmem:s9], [sflag:$0x1], $0x10, $0x38;
	[tilespmem:$0xC10] =	vst v63  }
0xf2: {  	_ =	swait.ge [sflag:s28], $0x10  }
0xf3: {  	[sflag:s28] =	ssyncset.done $0x0  }
0xf4: {  	[sflag:s28] =	ssyncadd.s32 $0xFFFFFFF0  }
0xf5: {  	s29 =	simm.s32 $0x500;
	[bflag:$0x0] =	sbarrier.arrive $0xFFFF  }
0xf6: {  	[tilespmem:s29], [sflag:$0x1] =	stream.linear.gather [spmem:s8], $0x100, $0x38;
	[tilespmem:$0xC10] =	vst v63  }
0xf7: {  	_ =	swait.ge [sflag:s28], $0x100  }
0xf8: {  	[sflag:s28] =	ssyncset.done $0x0  }
0xf9: {  	[sflag:s28] =	ssyncadd.s32 $0xFFFFFF00  }
0xfa: {  	v35 =	vld [tilespmem:$0x500]  }
0xfb: {  	v36 =	vld [tilespmem:$0x510]  }
0xfc: {  	v37 =	vld [tilespmem:$0x520]  }
0xfd: {  	v38 =	vld [tilespmem:$0x530]  }
0xfe: {  	v39 =	vld [tilespmem:$0x540]  }
0xff: {  	v40 =	vld [tilespmem:$0x550]  }
0x100: {  	v41 =	vld [tilespmem:$0x560];
	v1 =	vadd.s32 v35, v36  }
0x101: {  	v42 =	vld [tilespmem:$0x570];
	v1 =	vadd.s32 v37, v1  }
0x102: {  	v43 =	vld [tilespmem:$0x580];
	v1 =	vadd.s32 v38, v1  }
0x103: {  	v44 =	vld [tilespmem:$0x590];
	v1 =	vadd.s32 v39, v1  }
0x104: {  	v45 =	vld [tilespmem:$0x5A0];
	v1 =	vadd.s32 v40, v1  }
0x105: {  	v46 =	vld [tilespmem:$0x5B0];
	v1 =	vadd.s32 v41, v1  }
0x106: {  	v47 =	vld [tilespmem:$0x5C0];
	v1 =	vadd.s32 v42, v1  }
0x107: {  	v48 =	vld [tilespmem:$0x5D0];
	v1 =	vadd.s32 v43, v1  }
0x108: {  	v49 =	vld [tilespmem:$0x5E0];
	v1 =	vadd.s32 v44, v1  }
0x109: {  	v50 =	vld [tilespmem:$0x5F0];
	v1 =	vadd.s32 v45, v1  }
0x10a: {  	v1 =	vadd.s32 v46, v1  }
0x10b: {  	v1 =	vadd.s32 v47, v1  }
0x10c: {  	v1 =	vadd.s32 v48, v1  }
0x10d: {  	v1 =	vadd.s32 v49, v1  }
0x10e: {  	v2 =	vadd.s32 v50, v1  }
0x10f: {  	v1 =	vcvt.s32.f32 v2;
	_ =	sdelay $0x1  }
0x110: {  	(erf) = vrcp.f32 v1;
	_ =	sdelay $0x8  }
0x111: {  	v1 =	vpop (erf)  }
0x112: {  	[tilespmem:$0x600] =	vst v1  }
0x113: {  	[tilespmem:$0x610] =	vst v1  }
0x114: {  	[tilespmem:$0x620] =	vst v1  }
0x115: {  	[tilespmem:$0x630] =	vst v1  }
0x116: {  	[tilespmem:$0x640] =	vst v1  }
0x117: {  	[tilespmem:$0x650] =	vst v1  }
0x118: {  	v51 =	vld [tilespmem:$0x0];
	[tilespmem:$0x660] =	vst v1  }
0x119: {  	[tilespmem:$0x670] =	vst v1  }
0x11a: {  	[tilespmem:$0x680] =	vst v1  }
0x11b: {  	[tilespmem:$0x690] =	vst v1  }
0x11c: {  	[tilespmem:$0x6A0] =	vst v1  }
0x11d: {  	v3 =	vadd.s32 v0, v51;
	[tilespmem:$0x6B0] =	vst v1  }
0x11e: {  	v52 =	vld [tilespmem:$0x10];
	[tilespmem:$0x6C0] =	vst v1  }
0x11f: {  	[tilespmem:$0x6D0] =	vst v1  }
0x120: {  	[tilespmem:$0x6E0] =	vst v1  }
0x121: {  	s30 =	simm.s32 $0x600;
	[tilespmem:$0x6F0] =	vst v1  }
0x122: {  	v3 =	vld.idx.msk [tilespmem:v3+s30+$0x0], $0xffff  }
0x123: {  	v4 =	vadd.s32 v0, v52  }
0x124: {  	v53 =	vld [tilespmem:$0x20];
	_ =	sdelay $0x2  }
0x125: {  	[tilespmem:$0x700] =	vst v3  }
0x126: {  	v3 =	vld.idx.msk [tilespmem:v4+s30+$0x0], $0xffff  }
0x127: {  	v54 =	vadd.s32 v0, v53  }
0x128: {  	v55 =	vld [tilespmem:$0x30];
	_ =	sdelay $0x2  }
0x129: {  	[tilespmem:$0x710] =	vst v3  }
0x12a: {  	v3 =	vld.idx.msk [tilespmem:v54+s30+$0x0], $0xffff  }
0x12b: {  	v56 =	vadd.s32 v0, v55  }
0x12c: {  	v57 =	vld [tilespmem:$0x40];
	_ =	sdelay $0x2  }
0x12d: {  	[tilespmem:$0x720] =	vst v3  }
0x12e: {  	v3 =	vld.idx.msk [tilespmem:v56+s30+$0x0], $0xffff  }
0x12f: {  	v58 =	vadd.s32 v0, v57  }
0x130: {  	v59 =	vld [tilespmem:$0x50];
	_ =	sdelay $0x2  }
0x131: {  	[tilespmem:$0x730] =	vst v3  }
0x132: {  	v3 =	vld.idx.msk [tilespmem:v58+s30+$0x0], $0xffff  }
0x133: {  	v60 =	vadd.s32 v0, v59  }
0x134: {  	v61 =	vld [tilespmem:$0x60];
	_ =	sdelay $0x2  }
0x135: {  	[tilespmem:$0x740] =	vst v3  }
0x136: {  	v3 =	vld.idx.msk [tilespmem:v60+s30+$0x0], $0xffff  }
0x137: {  	v62 =	vadd.s32 v0, v61  }
0x138: {  	v63 =	vld [tilespmem:$0x70];
	_ =	sdelay $0x2  }
0x139: {  	[tilespmem:$0x750] =	vst v3  }
0x13a: {  	v3 =	vld.idx.msk [tilespmem:v62+s30+$0x0], $0xffff  }
0x13b: {  	v8 =	vadd.s32 v0, v63  }
0x13c: {  	v9 =	vld [tilespmem:$0x80];
	_ =	sdelay $0x2  }
0x13d: {  	[tilespmem:$0x760] =	vst v3  }
0x13e: {  	v3 =	vld.idx.msk [tilespmem:v8+s30+$0x0], $0xffff  }
0x13f: {  	v10 =	vadd.s32 v0, v9  }
0x140: {  	v11 =	vld [tilespmem:$0x90];
	_ =	sdelay $0x2  }
0x141: {  	[tilespmem:$0x770] =	vst v3  }
0x142: {  	v3 =	vld.idx.msk [tilespmem:v10+s30+$0x0], $0xffff  }
0x143: {  	v12 =	vadd.s32 v0, v11  }
0x144: {  	v13 =	vld [tilespmem:$0xA0];
	_ =	sdelay $0x2  }
0x145: {  	[tilespmem:$0x780] =	vst v3  }
0x146: {  	v3 =	vld.idx.msk [tilespmem:v12+s30+$0x0], $0xffff  }
0x147: {  	v14 =	vadd.s32 v0, v13  }
0x148: {  	v15 =	vld [tilespmem:$0xB0];
	_ =	sdelay $0x2  }
0x149: {  	[tilespmem:$0x790] =	vst v3  }
0x14a: {  	v3 =	vld.idx.msk [tilespmem:v14+s30+$0x0], $0xffff  }
0x14b: {  	v16 =	vadd.s32 v0, v15  }
0x14c: {  	v17 =	vld [tilespmem:$0xC0];
	_ =	sdelay $0x2  }
0x14d: {  	[tilespmem:$0x7A0] =	vst v3  }
0x14e: {  	v3 =	vld.idx.msk [tilespmem:v16+s30+$0x0], $0xffff  }
0x14f: {  	v18 =	vadd.s32 v0, v17  }
0x150: {  	v19 =	vld [tilespmem:$0xD0];
	_ =	sdelay $0x2  }
0x151: {  	[tilespmem:$0x7B0] =	vst v3  }
0x152: {  	v3 =	vld.idx.msk [tilespmem:v18+s30+$0x0], $0xffff  }
0x153: {  	v20 =	vadd.s32 v0, v19  }
0x154: {  	v21 =	vld [tilespmem:$0xE0];
	_ =	sdelay $0x2  }
0x155: {  	[tilespmem:$0x7C0] =	vst v3  }
0x156: {  	v3 =	vld.idx.msk [tilespmem:v20+s30+$0x0], $0xffff  }
0x157: {  	v22 =	vadd.s32 v0, v21  }
0x158: {  	v23 =	vld [tilespmem:$0xF0];
	_ =	sdelay $0x2  }
0x159: {  	[tilespmem:$0x7D0] =	vst v3  }
0x15a: {  	v3 =	vld.idx.msk [tilespmem:v22+s30+$0x0], $0xffff  }
0x15b: {  	v24 =	vadd.s32 v0, v23  }
0x15c: {  	v25 =	vld [tilespmem:$0x100];
	_ =	sdelay $0x2  }
0x15d: {  	[tilespmem:$0x7E0] =	vst v3  }
0x15e: {  	v3 =	vld.idx.msk [tilespmem:v24+s30+$0x0], $0xffff  }
0x15f: {  	v26 =	vadd.s32 v0, v25  }
0x160: {  	v27 =	vld [tilespmem:$0x110];
	_ =	sdelay $0x2  }
0x161: {  	[tilespmem:$0x7F0] =	vst v3  }
0x162: {  	v3 =	vld.idx.msk [tilespmem:v26+s30+$0x0], $0xffff  }
0x163: {  	v28 =	vadd.s32 v0, v27  }
0x164: {  	v29 =	vld [tilespmem:$0x120];
	_ =	sdelay $0x2  }
0x165: {  	[tilespmem:$0x800] =	vst v3  }
0x166: {  	v3 =	vld.idx.msk [tilespmem:v28+s30+$0x0], $0xffff  }
0x167: {  	v30 =	vadd.s32 v0, v29  }
0x168: {  	v31 =	vld [tilespmem:$0x130];
	_ =	sdelay $0x2  }
0x169: {  	[tilespmem:$0x810] =	vst v3  }
0x16a: {  	v3 =	vld.idx.msk [tilespmem:v30+s30+$0x0], $0xffff  }
0x16b: {  	v32 =	vadd.s32 v0, v31  }
0x16c: {  	v33 =	vld [tilespmem:$0x140];
	_ =	sdelay $0x2  }
0x16d: {  	[tilespmem:$0x820] =	vst v3  }
0x16e: {  	v3 =	vld.idx.msk [tilespmem:v32+s30+$0x0], $0xffff  }
0x16f: {  	v34 =	vadd.s32 v0, v33  }
0x170: {  	v35 =	vld [tilespmem:$0x150];
	_ =	sdelay $0x2  }
0x171: {  	[tilespmem:$0x830] =	vst v3  }
0x172: {  	v3 =	vld.idx.msk [tilespmem:v34+s30+$0x0], $0xffff  }
0x173: {  	v36 =	vadd.s32 v0, v35  }
0x174: {  	v37 =	vld [tilespmem:$0x160];
	_ =	sdelay $0x2  }
0x175: {  	[tilespmem:$0x840] =	vst v3  }
0x176: {  	v3 =	vld.idx.msk [tilespmem:v36+s30+$0x0], $0xffff  }
0x177: {  	v38 =	vadd.s32 v0, v37  }
0x178: {  	v39 =	vld [tilespmem:$0x170];
	_ =	sdelay $0x2  }
0x179: {  	[tilespmem:$0x850] =	vst v3  }
0x17a: {  	v3 =	vld.idx.msk [tilespmem:v38+s30+$0x0], $0xffff  }
0x17b: {  	v40 =	vadd.s32 v0, v39  }
0x17c: {  	v41 =	vld [tilespmem:$0x180];
	_ =	sdelay $0x2  }
0x17d: {  	[tilespmem:$0x860] =	vst v3  }
0x17e: {  	v3 =	vld.idx.msk [tilespmem:v40+s30+$0x0], $0xffff  }
0x17f: {  	v42 =	vadd.s32 v0, v41  }
0x180: {  	v43 =	vld [tilespmem:$0x190];
	_ =	sdelay $0x2  }
0x181: {  	[tilespmem:$0x870] =	vst v3  }
0x182: {  	v3 =	vld.idx.msk [tilespmem:v42+s30+$0x0], $0xffff  }
0x183: {  	v44 =	vadd.s32 v0, v43  }
0x184: {  	v45 =	vld [tilespmem:$0x1A0];
	_ =	sdelay $0x2  }
0x185: {  	[tilespmem:$0x880] =	vst v3  }
0x186: {  	v3 =	vld.idx.msk [tilespmem:v44+s30+$0x0], $0xffff  }
0x187: {  	v46 =	vadd.s32 v0, v45  }
0x188: {  	v47 =	vld [tilespmem:$0x1B0];
	_ =	sdelay $0x2  }
0x189: {  	[tilespmem:$0x890] =	vst v3  }
0x18a: {  	v3 =	vld.idx.msk [tilespmem:v46+s30+$0x0], $0xffff  }
0x18b: {  	v48 =	vadd.s32 v0, v47  }
0x18c: {  	v49 =	vld [tilespmem:$0x1C0];
	_ =	sdelay $0x2  }
0x18d: {  	[tilespmem:$0x8A0] =	vst v3  }
0x18e: {  	v3 =	vld.idx.msk [tilespmem:v48+s30+$0x0], $0xffff  }
0x18f: {  	v50 =	vadd.s32 v0, v49  }
0x190: {  	v51 =	vld [tilespmem:$0x1D0];
	_ =	sdelay $0x2  }
0x191: {  	[tilespmem:$0x8B0] =	vst v3  }
0x192: {  	v3 =	vld.idx.msk [tilespmem:v50+s30+$0x0], $0xffff  }
0x193: {  	v52 =	vadd.s32 v0, v51  }
0x194: {  	v53 =	vld [tilespmem:$0x1E0];
	_ =	sdelay $0x2  }
0x195: {  	[tilespmem:$0x8C0] =	vst v3  }
0x196: {  	v3 =	vld.idx.msk [tilespmem:v52+s30+$0x0], $0xffff  }
0x197: {  	v54 =	vadd.s32 v0, v53  }
0x198: {  	v55 =	vld [tilespmem:$0x1F0];
	_ =	sdelay $0x2  }
0x199: {  	[tilespmem:$0x8D0] =	vst v3  }
0x19a: {  	v3 =	vld.idx.msk [tilespmem:v54+s30+$0x0], $0xffff  }
0x19b: {  	v56 =	vadd.s32 v0, v55  }
0x19c: {  	v57 =	vld [tilespmem:$0x200];
	_ =	sdelay $0x2  }
0x19d: {  	[tilespmem:$0x8E0] =	vst v3  }
0x19e: {  	v3 =	vld.idx.msk [tilespmem:v56+s30+$0x0], $0xffff  }
0x19f: {  	v58 =	vadd.s32 v0, v57  }
0x1a0: {  	v59 =	vld [tilespmem:$0x210];
	_ =	sdelay $0x2  }
0x1a1: {  	[tilespmem:$0x8F0] =	vst v3  }
0x1a2: {  	v3 =	vld.idx.msk [tilespmem:v58+s30+$0x0], $0xffff  }
0x1a3: {  	v60 =	vadd.s32 v0, v59  }
0x1a4: {  	v61 =	vld [tilespmem:$0x220];
	_ =	sdelay $0x2  }
0x1a5: {  	[tilespmem:$0x900] =	vst v3  }
0x1a6: {  	v3 =	vld.idx.msk [tilespmem:v60+s30+$0x0], $0xffff  }
0x1a7: {  	v62 =	vadd.s32 v0, v61  }
0x1a8: {  	v63 =	vld [tilespmem:$0x230];
	_ =	sdelay $0x2  }
0x1a9: {  	[tilespmem:$0x910] =	vst v3  }
0x1aa: {  	v3 =	vld.idx.msk [tilespmem:v62+s30+$0x0], $0xffff  }
0x1ab: {  	v8 =	vadd.s32 v0, v63  }
0x1ac: {  	v9 =	vld [tilespmem:$0x240];
	_ =	sdelay $0x2  }
0x1ad: {  	[tilespmem:$0x920] =	vst v3  }
0x1ae: {  	v3 =	vld.idx.msk [tilespmem:v8+s30+$0x0], $0xffff  }
0x1af: {  	v10 =	vadd.s32 v0, v9  }
0x1b0: {  	v11 =	vld [tilespmem:$0x250];
	_ =	sdelay $0x2  }
0x1b1: {  	[tilespmem:$0x930] =	vst v3  }
0x1b2: {  	v3 =	vld.idx.msk [tilespmem:v10+s30+$0x0], $0xffff  }
0x1b3: {  	v12 =	vadd.s32 v0, v11  }
0x1b4: {  	v13 =	vld [tilespmem:$0x260];
	_ =	sdelay $0x2  }
0x1b5: {  	[tilespmem:$0x940] =	vst v3  }
0x1b6: {  	v3 =	vld.idx.msk [tilespmem:v12+s30+$0x0], $0xffff  }
0x1b7: {  	v14 =	vadd.s32 v0, v13  }
0x1b8: {  	v15 =	vld [tilespmem:$0x270];
	_ =	sdelay $0x2  }
0x1b9: {  	[tilespmem:$0x950] =	vst v3  }
0x1ba: {  	v3 =	vld.idx.msk [tilespmem:v14+s30+$0x0], $0xffff  }
0x1bb: {  	v16 =	vadd.s32 v0, v15  }
0x1bc: {  	v17 =	vld [tilespmem:$0x280];
	_ =	sdelay $0x2  }
0x1bd: {  	[tilespmem:$0x960] =	vst v3  }
0x1be: {  	v3 =	vld.idx.msk [tilespmem:v16+s30+$0x0], $0xffff  }
0x1bf: {  	v18 =	vadd.s32 v0, v17  }
0x1c0: {  	v19 =	vld [tilespmem:$0x290];
	_ =	sdelay $0x2  }
0x1c1: {  	[tilespmem:$0x970] =	vst v3  }
0x1c2: {  	v3 =	vld.idx.msk [tilespmem:v18+s30+$0x0], $0xffff  }
0x1c3: {  	v20 =	vadd.s32 v0, v19  }
0x1c4: {  	v21 =	vld [tilespmem:$0x2A0];
	_ =	sdelay $0x2  }
0x1c5: {  	[tilespmem:$0x980] =	vst v3  }
0x1c6: {  	v3 =	vld.idx.msk [tilespmem:v20+s30+$0x0], $0xffff  }
0x1c7: {  	v22 =	vadd.s32 v0, v21  }
0x1c8: {  	v23 =	vld [tilespmem:$0x2B0];
	_ =	sdelay $0x2  }
0x1c9: {  	[tilespmem:$0x990] =	vst v3  }
0x1ca: {  	v3 =	vld.idx.msk [tilespmem:v22+s30+$0x0], $0xffff  }
0x1cb: {  	v24 =	vadd.s32 v0, v23  }
0x1cc: {  	v25 =	vld [tilespmem:$0x2C0];
	_ =	sdelay $0x2  }
0x1cd: {  	[tilespmem:$0x9A0] =	vst v3  }
0x1ce: {  	v3 =	vld.idx.msk [tilespmem:v24+s30+$0x0], $0xffff  }
0x1cf: {  	v26 =	vadd.s32 v0, v25  }
0x1d0: {  	v27 =	vld [tilespmem:$0x2D0];
	_ =	sdelay $0x2  }
0x1d1: {  	[tilespmem:$0x9B0] =	vst v3  }
0x1d2: {  	v3 =	vld.idx.msk [tilespmem:v26+s30+$0x0], $0xffff  }
0x1d3: {  	v28 =	vadd.s32 v0, v27  }
0x1d4: {  	v29 =	vld [tilespmem:$0x2E0];
	_ =	sdelay $0x2  }
0x1d5: {  	[tilespmem:$0x9C0] =	vst v3  }
0x1d6: {  	v3 =	vld.idx.msk [tilespmem:v28+s30+$0x0], $0xffff  }
0x1d7: {  	v30 =	vadd.s32 v0, v29  }
0x1d8: {  	v31 =	vld [tilespmem:$0x2F0];
	_ =	sdelay $0x2  }
0x1d9: {  	[tilespmem:$0x9D0] =	vst v3  }
0x1da: {  	v3 =	vld.idx.msk [tilespmem:v30+s30+$0x0], $0xffff  }
0x1db: {  	v32 =	vadd.s32 v0, v31  }
0x1dc: {  	v33 =	vld [tilespmem:$0x300];
	_ =	sdelay $0x2  }
0x1dd: {  	[tilespmem:$0x9E0] =	vst v3  }
0x1de: {  	v3 =	vld.idx.msk [tilespmem:v32+s30+$0x0], $0xffff  }
0x1df: {  	v34 =	vadd.s32 v0, v33  }
0x1e0: {  	v35 =	vld [tilespmem:$0x310];
	_ =	sdelay $0x2  }
0x1e1: {  	[tilespmem:$0x9F0] =	vst v3  }
0x1e2: {  	v3 =	vld.idx.msk [tilespmem:v34+s30+$0x0], $0xffff  }
0x1e3: {  	v36 =	vadd.s32 v0, v35  }
0x1e4: {  	v37 =	vld [tilespmem:$0x320];
	_ =	sdelay $0x2  }
0x1e5: {  	[tilespmem:$0xA00] =	vst v3  }
0x1e6: {  	v3 =	vld.idx.msk [tilespmem:v36+s30+$0x0], $0xffff  }
0x1e7: {  	v38 =	vadd.s32 v0, v37  }
0x1e8: {  	v39 =	vld [tilespmem:$0x330];
	_ =	sdelay $0x2  }
0x1e9: {  	[tilespmem:$0xA10] =	vst v3  }
0x1ea: {  	v3 =	vld.idx.msk [tilespmem:v38+s30+$0x0], $0xffff  }
0x1eb: {  	v40 =	vadd.s32 v0, v39  }
0x1ec: {  	v41 =	vld [tilespmem:$0x340];
	_ =	sdelay $0x2  }
0x1ed: {  	[tilespmem:$0xA20] =	vst v3  }
0x1ee: {  	v3 =	vld.idx.msk [tilespmem:v40+s30+$0x0], $0xffff  }
0x1ef: {  	v42 =	vadd.s32 v0, v41  }
0x1f0: {  	v43 =	vld [tilespmem:$0x350];
	_ =	sdelay $0x2  }
0x1f1: {  	[tilespmem:$0xA30] =	vst v3  }
0x1f2: {  	v3 =	vld.idx.msk [tilespmem:v42+s30+$0x0], $0xffff  }
0x1f3: {  	v44 =	vadd.s32 v0, v43  }
0x1f4: {  	v45 =	vld [tilespmem:$0x360];
	_ =	sdelay $0x2  }
0x1f5: {  	[tilespmem:$0xA40] =	vst v3  }
0x1f6: {  	v3 =	vld.idx.msk [tilespmem:v44+s30+$0x0], $0xffff  }
0x1f7: {  	v46 =	vadd.s32 v0, v45  }
0x1f8: {  	v47 =	vld [tilespmem:$0x370];
	_ =	sdelay $0x2  }
0x1f9: {  	[tilespmem:$0xA50] =	vst v3  }
0x1fa: {  	v3 =	vld.idx.msk [tilespmem:v46+s30+$0x0], $0xffff  }
0x1fb: {  	v48 =	vadd.s32 v0, v47  }
0x1fc: {  	v49 =	vld [tilespmem:$0x380];
	_ =	sdelay $0x2  }
0x1fd: {  	[tilespmem:$0xA60] =	vst v3  }
0x1fe: {  	v3 =	vld.idx.msk [tilespmem:v48+s30+$0x0], $0xffff  }
0x1ff: {  	v50 =	vadd.s32 v0, v49  }
0x200: {  	v51 =	vld [tilespmem:$0x390];
	_ =	sdelay $0x2  }
0x201: {  	[tilespmem:$0xA70] =	vst v3  }
0x202: {  	v3 =	vld.idx.msk [tilespmem:v50+s30+$0x0], $0xffff  }
0x203: {  	v52 =	vadd.s32 v0, v51  }
0x204: {  	v53 =	vld [tilespmem:$0x3A0];
	_ =	sdelay $0x2  }
0x205: {  	[tilespmem:$0xA80] =	vst v3  }
0x206: {  	v3 =	vld.idx.msk [tilespmem:v52+s30+$0x0], $0xffff  }
0x207: {  	v54 =	vadd.s32 v0, v53  }
0x208: {  	v55 =	vld [tilespmem:$0x3B0];
	_ =	sdelay $0x2  }
0x209: {  	[tilespmem:$0xA90] =	vst v3  }
0x20a: {  	v3 =	vld.idx.msk [tilespmem:v54+s30+$0x0], $0xffff  }
0x20b: {  	v56 =	vadd.s32 v0, v55  }
0x20c: {  	v57 =	vld [tilespmem:$0x3C0];
	_ =	sdelay $0x2  }
0x20d: {  	[tilespmem:$0xAA0] =	vst v3  }
0x20e: {  	v3 =	vld.idx.msk [tilespmem:v56+s30+$0x0], $0xffff  }
0x20f: {  	v58 =	vadd.s32 v0, v57  }
0x210: {  	v59 =	vld [tilespmem:$0x3D0];
	_ =	sdelay $0x2  }
0x211: {  	[tilespmem:$0xAB0] =	vst v3  }
0x212: {  	v3 =	vld.idx.msk [tilespmem:v58+s30+$0x0], $0xffff  }
0x213: {  	v60 =	vadd.s32 v0, v59  }
0x214: {  	v61 =	vld [tilespmem:$0x3E0];
	_ =	sdelay $0x2  }
0x215: {  	[tilespmem:$0xAC0] =	vst v3  }
0x216: {  	v3 =	vld.idx.msk [tilespmem:v60+s30+$0x0], $0xffff  }
0x217: {  	v62 =	vadd.s32 v0, v61  }
0x218: {  	v63 =	vld [tilespmem:$0x3F0];
	_ =	sdelay $0x2  }
0x219: {  	[tilespmem:$0xAD0] =	vst v3  }
0x21a: {  	v3 =	vld.idx.msk [tilespmem:v62+s30+$0x0], $0xffff  }
0x21b: {  	v0 =	vadd.s32 v0, v63;
	_ =	sdelay $0x3  }
0x21c: {  	[tilespmem:$0xAE0] =	vst v3  }
0x21d: {  	v0 =	vld.idx.msk [tilespmem:v0+s30+$0x0], $0xffff;
	_ =	sdelay $0x4  }
0x21e: {  	s31 =	simm.s32 $0x700;
	s3 =	sadd.s32 s3, s7;
	[tilespmem:$0xAF0] =	vst v0  }
0x21f: {  	[hbm4b:s3+s5] =	stream.linear.scatter [tilespmem:s31], [sflag:$0x1], $0x400, $0x38;
	[tilespmem:$0xC10] =	vst v63  }
0x220: {  	_ =	swait.ge [sflag:s28], $0x400  }
0x221: {  	[sflag:s28] =	ssyncset.done $0x0  }
0x222: {  	p0 =	sne.s32 s4, $0x0;
	[sflag:s28] =	ssyncadd.s32 $0xFFFFFC00  }
0x223: {  	_ =	sfence.sel @p0 $0x180000  }
0x224: {  	[bflag:$0x0] =	sbarrier.arrive @p0 $0xFFFF  }
0x225: {  	_ =	strace @p0 $0x90000047  }
0x226: {  	[bflag:$0x2] =	sbarrier.arrive @p0 $0xFFFF  }
0x227: {  	(xrf0) =	vadd.scan.msk.s32 @!p0 $0xffff, v2  }
0x228: {  	v0 =	vlaneseq.u32 @!p0  }
0x229: {  	v0 =	vmul.u32 @!p0 $0x5, v0;
	_ =	sdelay $0x2  }
0x22a: {  	v3 =	vadd.s32 @!p0 $0x1, v0  }
0x22b: {  	v4, _, _ =	vpop @!p0 (xrf0)  }
0x22c: {  	s3 =	simm.s32 @!p0 $0xB00;
	v2 =	vsub.s32 @!p0 v4, v2;
	v4 =	vadd.s32 @!p0 $0x2, v0  }
0x22d: {  	s4 =	simm.s32 @!p0 $0xB80;
	[tilespmem:v0+s3+$0x0] =	vst.idx.msk @!p0 $0xffff, v2  }
0x22e: {  	v6 =	vadd.s32 @!p0 $0x3, v0;
	v5 =	vadd.s32 @!p0 $0x1, v2;
	[tilespmem:v0+s4+$0x0] =	vst.idx.msk @!p0 $0xffff, v1  }
0x22f: {  	[tilespmem:v3+s3+$0x0] =	vst.idx.msk @!p0 $0xffff, v5  }
0x230: {  	v0 =	vadd.s32 @!p0 $0x4, v0;
	[tilespmem:v3+s4+$0x0] =	vst.idx.msk @!p0 $0xffff, v1;
	v3 =	vadd.s32 @!p0 $0x2, v2  }
0x231: {  	[tilespmem:v4+s3+$0x0] =	vst.idx.msk @!p0 $0xffff, v3  }
0x232: {  	v3 =	vadd.s32 @!p0 $0x3, v2;
	[tilespmem:v4+s4+$0x0] =	vst.idx.msk @!p0 $0xffff, v1  }
0x233: {  	[tilespmem:v6+s3+$0x0] =	vst.idx.msk @!p0 $0xffff, v3  }
0x234: {  	v2 =	vadd.s32 @!p0 $0x4, v2;
	[tilespmem:v6+s4+$0x0] =	vst.idx.msk @!p0 $0xffff, v1  }
0x235: {  	[tilespmem:v0+s3+$0x0] =	vst.idx.msk @!p0 $0xffff, v2  }
0x236: {  	s5 =	simm.s32 @!p0 $0x0;
	[tilespmem:v0+s4+$0x0] =	vst.idx.msk @!p0 $0xffff, v1  }
0x237: {  	[hbm4b:s2+s5] =	stream.linear.scatter @!p0 [tilespmem:s3], [sflag:$0x1], $0x80, $0x38;
	[tilespmem:$0xC10] =	vst v63  }
0x238: {  	s2 =	simm.s32 @!p0 $0x1  }
0x239: {  	_ =	swait.ge @!p0 [sflag:s2], $0x80  }
0x23a: {  	[sflag:s2] =	ssyncset.done @!p0 $0x0  }
0x23b: {  	[sflag:s2] =	ssyncadd.s32 @!p0 $0xFFFFFF80  }
0x23c: {  	[hbm4b:s1+s5] =	stream.linear.scatter @!p0 [tilespmem:s4], [sflag:$0x1], $0x80, $0x38;
	[tilespmem:$0xC10] =	vst v63  }
0x23d: {  	_ =	swait.ge @!p0 [sflag:s2], $0x80  }
0x23e: {  	[sflag:s2] =	ssyncset.done @!p0 $0x0  }
0x23f: {  	[sflag:s2] =	ssyncadd.s32 @!p0 $0xFFFFFF80  }
0x240: {  	_ =	sfence.sel @!p0 $0x180000  }
0x241: {  	[bflag:$0x0] =	sbarrier.arrive @!p0 $0xFFFF  }
0x242: {  	_ =	strace @!p0 $0x90000047  }
0x243: {  	s0 =	sadd.s32 @!p0 $0x100000, s0;
	[bflag:$0x2] =	sbarrier.arrive @!p0 $0xFFFF  }
0x244: {  	[sflag:s0] =	ssyncadd.tile.s32 @!p0 $0x1;
	_ =	shalt  }
.Lfunc_end2:
_tile_overlayer_lowered:
.L_overlay_start_2:
0x245: {  	(tag) =	ssettag $0x2  }
0x246: {  	s0 =	rddreg [dreg:$0x0];
	s2 =	stileid.u32  }
0x247: {  	s1 =	rddreg [dreg:$0x1];
	p0 =	sne.s32 s2, $0x0  }
0x248: {  	s3 =	rddreg [dreg:$0x2];
	[bflag:$0x3] =	sbarrier.arrive $0xFFFF;
	s2 =	simm.s32 @!p0 $0x1C01  }
0x249: {  	[timem:s3], [sflag:s2] =	dma.local @!p0 [hbm:s0], s1  }
0x24a: {  	s0 =	simm.s32 @!p0 $0x1  }
0x24b: {  	_ =	swait.ge @!p0 [sflag:s0], s1  }
0x24c: {  	s1 =	ssub.s32 @!p0 $0x0, s1;
	[sflag:s0] =	ssyncset.done @!p0 $0x0  }
0x24d: {  	[sflag:s0] =	ssyncadd.s32 @!p0 s1  }
0x24e: {  	[bflag:$0x3] =	sbarrier.arrive $0xFFFF  }
0x24f: {  	_ =	shalt  }

</sc_bundles>
